<compile_context>
chip_gen: v7x
topology: tpu7x:2x2x1
jax: 0.10.2.dev20260603
libtpu: 0.0.44.dev20260713+nightly
codegen_flags: <defaults>
</compile_context>

<pallas_src>
import jax
import jax.numpy as jnp
from jax import lax
from jax.experimental import pallas as pl
from jax.experimental.pallas import tpu as pltpu
from jax.experimental.pallas import tpu_sc as plsc

SIZE = 1000000
DIM = 64
BATCH = 16384
L = 16
NW = 32
RPW = SIZE // NW
NVR = BATCH // L
CW = 128
NCH = BATCH // CW
CCH = 50
NCC = RPW // CCH
NBUF = 8
DEPTH = NBUF // 2
HALF = NCC // 2
VP = -(-NVR // HALF)

_mesh = plsc.VectorSubcoreMesh(core_axis_name="c", subcore_axis_name="s")


def _body(bank_hbm, idx_hbm, data_hbm, out_hbm, idxbuf, stamp, idxf, jf,
          rows, cbuf, idxsem, isems, osems, gsem, ssem):
    wid = lax.axis_index("s") * 2 + lax.axis_index("c")
    base = wid * RPW

    pltpu.async_copy(idx_hbm, idxbuf, idxsem).wait()
    iota = lax.iota(jnp.int32, L)
    zero = jnp.zeros((L,), jnp.int32)

    def _in_start(k):
        b = k & (NBUF - 1)
        pltpu.async_copy(
            bank_hbm.at[pl.ds(base + k * CCH, CCH)], cbuf.at[b], isems.at[b])

    def _in_wait(k):
        b = k & (NBUF - 1)
        pltpu.make_async_copy(
            bank_hbm.at[pl.ds(base + k * CCH, CCH)], cbuf.at[b],
            isems.at[b]).wait()

    def _out_start(k):
        b = k & (NBUF - 1)
        pltpu.async_copy(
            cbuf.at[b], out_hbm.at[pl.ds(base + k * CCH, CCH)], osems.at[b])

    def _out_wait(k):
        b = k & (NBUF - 1)
        pltpu.make_async_copy(
            cbuf.at[b], out_hbm.at[pl.ds(base + k * CCH, CCH)],
            osems.at[b]).wait()

    def _copy_step(k):
        @pl.when(k >= NBUF)
        def _():
            _out_wait(k - NBUF)

        _in_start(k)

        @pl.when(k >= DEPTH)
        def _():
            _in_wait(k - DEPTH)
            _out_start(k - DEPTH)

    def p1(v):
        vc = jnp.minimum(v, NVR - 1)
        ids = idxbuf[pl.ds(vc * L, L)]
        jv = vc * L + iota
        m = (ids >= base) & (ids < base + RPW) & (v < NVR)
        rloc = jnp.clip(ids - base, 0, RPW - 1)
        plsc.store_scatter(stamp, [rloc], jv, mask=m)

    def cpA(k, carry):
        _copy_step(k)
        for q in range(VP):
            p1(k * VP + q)
        return carry

    lax.fori_loop(0, HALF, cpA, jnp.int32(0))

    def p2(v, carry):
        n, lastid, lastj = carry
        vc = jnp.minimum(v, NVR - 1)
        ids = idxbuf[pl.ds(vc * L, L)]
        jv = vc * L + iota
        m = (ids >= base) & (ids < base + RPW) & (v < NVR)
        rloc = jnp.clip(ids - base, 0, RPW - 1)
        w = plsc.load_gather(stamp, [rloc], mask=m)
        keep = m & (w == jv)
        ki = keep.astype(jnp.int32)
        cs = plsc.cumsum(ki)
        cnt = jnp.sum(ki)
        pos = n + cs - 1
        posc = jnp.clip(pos, 0, BATCH - 1)
        row = jnp.right_shift(posc, 7)
        col = posc & (CW - 1)
        plsc.store_scatter(idxf, [row, col], ids, mask=keep)
        plsc.store_scatter(jf, [row, col], jv, mask=keep)
        nn = n + cnt
        sel = keep & (pos == nn - 1)
        lid = jnp.sum(jnp.where(sel, ids, zero))
        lj = jnp.sum(jnp.where(sel, jv, zero))
        has = cnt > 0
        return (nn, jnp.where(has, lid, lastid), jnp.where(has, lj, lastj))

    def cpB(k, carry):
        _copy_step(k)
        for q in range(VP):
            carry = p2((k - HALF) * VP + q, carry)
        return carry

    n, lastid, lastj = lax.fori_loop(
        HALF, NCC, cpB, (jnp.int32(0), jnp.int32(0), jnp.int32(0)))

    for k in range(NCC - DEPTH, NCC):
        _in_wait(k)
        _out_start(k)
    for k in range(NCC - NBUF, NCC):
        _out_wait(k)

    ntot = jnp.bitwise_and(n + (CW - 1), -CW)
    lid_v = zero + lastid
    lj_v = zero + lastj
    for p in range(CW // L):
        lanepos = n + p * L + iota
        mp = lanepos < ntot
        pc = jnp.clip(lanepos, 0, BATCH - 1)
        row = jnp.right_shift(pc, 7)
        col = pc & (CW - 1)
        plsc.store_scatter(idxf, [row, col], lid_v, mask=mp)
        plsc.store_scatter(jf, [row, col], lj_v, mask=mp)

    nch = jnp.right_shift(ntot, 7)

    def dma(ch, carry):
        pltpu.async_copy(data_hbm.at[jf.at[ch]], rows, gsem).wait()
        pltpu.async_copy(rows, out_hbm.at[idxf.at[ch]], ssem).wait()
        return carry

    lax.fori_loop(0, nch, dma, jnp.int32(0))


_memory_bank_update = pl.kernel(
    _body,
    out_type=jax.ShapeDtypeStruct((SIZE, DIM), jnp.float32),
    mesh=_mesh,
    compiler_params=pltpu.CompilerParams(
        needs_layout_passes=False, use_tc_tiling_on_sc=False),
    scratch_types=[
        pltpu.VMEM((BATCH,), jnp.int32),
        pltpu.VMEM((RPW,), jnp.int32),
        pltpu.VMEM((NCH, CW), jnp.int32),
        pltpu.VMEM((NCH, CW), jnp.int32),
        pltpu.VMEM((CW, DIM), jnp.float32),
        pltpu.VMEM((NBUF, CCH, DIM), jnp.float32),
        pltpu.SemaphoreType.DMA,
        pltpu.SemaphoreType.DMA((NBUF,)),
        pltpu.SemaphoreType.DMA((NBUF,)),
        pltpu.SemaphoreType.DMA,
        pltpu.SemaphoreType.DMA,
    ],
)


def kernel(bank, indices, data_memory):
    return _memory_bank_update(bank, indices.astype(jnp.int32), data_memory)

# --- scband reference (transcript-rebuilt; emitter-appended) ---
"""Pipeline reference for scband-memory-bank-38010460570013 (READ-ONLY COPY).

The authoritative reference and input builder live on the scoring server;
editing this copy changes nothing except your own understanding.
"""

import jax, jax.numpy as jnp
import numpy as np

SIZE = 1000000
DIM = 64
BATCH = 16384


def l2_normalize(x, axis):
    return x / jnp.sqrt(jnp.sum(x * x, axis=axis, keepdims=True))


def setup_inputs(seed: int = 0) -> dict:
    key = jax.random.key(seed)
    k1, k2, k3 = jax.random.split(key, 3)
    # Replicate MemoryBank._create()
    mb = jax.random.uniform(k1, (SIZE, DIM), dtype=jnp.float32)
    std_dev = 1.0 / np.sqrt(DIM / 3)
    mb = mb * (2 * std_dev) - std_dev
    bank = l2_normalize(mb, axis=1)
    indices = jax.random.randint(k2, (BATCH,), 0, SIZE, dtype=jnp.int64 if jax.config.jax_enable_x64 else jnp.int32)
    data_memory = jax.random.normal(k3, (BATCH, DIM), dtype=jnp.float32)
    return {"bank": bank, "indices": indices, "data_memory": data_memory}


def reference(bank, indices, data_memory):
    # Faithful translation of MemoryBank.update:
    #   self._bank = self._bank.scatter(0, indices.unsqueeze(1).repeat(1, dim), data_memory)
    # torch.scatter along dim 0 with row-broadcast indices == row-wise overwrite.
    new_bank = bank.at[indices].set(data_memory)
    return new_bank

if __name__ == "__main__":
    import jax
    _d = setup_inputs()
    print(jax.jit(kernel)(*tuple(_d.values())))

</pallas_src>

<mosaic_0001>
#map = affine_map<(d0, d1) -> (0, 0)>
#map1 = affine_map<(d0, d1) -> (0)>
module attributes {stable_mosaic.version = 14 : i64} {
  func.func @_body(%arg0: i32, %arg1: i32, %arg2: memref<1000000x64xf32, #tpu.memory_space<hbm>>, %arg3: memref<16384xi32, #tpu.memory_space<hbm>>, %arg4: memref<16384x64xf32, #tpu.memory_space<hbm>>, %arg5: memref<1000000x64xf32, #tpu.memory_space<hbm>>, %arg6: memref<16384xi32, #tpu.memory_space<vmem>>, %arg7: memref<31250xi32, #tpu.memory_space<vmem>>, %arg8: memref<128x128xi32, #tpu.memory_space<vmem>>, %arg9: memref<128x128xi32, #tpu.memory_space<vmem>>, %arg10: memref<128x64xf32, #tpu.memory_space<vmem>>, %arg11: memref<8x50x64xf32, #tpu.memory_space<vmem>>, %arg12: memref<!tpu.dma_semaphore, #tpu.memory_space<semaphore_mem>>, %arg13: memref<8x!tpu.dma_semaphore, #tpu.memory_space<semaphore_mem>>, %arg14: memref<8x!tpu.dma_semaphore, #tpu.memory_space<semaphore_mem>>, %arg15: memref<!tpu.dma_semaphore, #tpu.memory_space<semaphore_mem>>, %arg16: memref<!tpu.dma_semaphore, #tpu.memory_space<semaphore_mem>>) attributes {dimension_semantics = [#tpu.dimension_semantics<core_parallel>, #tpu.dimension_semantics<subcore_parallel>], iteration_bounds = array<i64: 2, 16>, scalar_prefetch = 0 : i64, scratch_operands = 11 : i64, tpu.core_type = #tpu.core_type<sc_vector_subcore>, window_params = [{transform_indices = #map}, {transform_indices = #map1}, {transform_indices = #map}, {transform_indices = #map}]} {
    %mul3A = arith.constant 2 : i32
    %mul3A_0 = arith.muli %arg1, %mul3A : i32
    %add3A = arith.addi %mul3A_0, %arg0 : i32
    %mul3A_1 = arith.constant 31250 : i32
    %mul3A_2 = arith.muli %add3A, %mul3A_1 : i32
    tpu.enqueue_dma source(%arg3 : memref<16384xi32, #tpu.memory_space<hbm>>) target(%arg6 : memref<16384xi32, #tpu.memory_space<vmem>>) target_semaphore(%arg12 : memref<!tpu.dma_semaphore, #tpu.memory_space<semaphore_mem>>)
    tpu.wait_dma2 semaphore(%arg12 : memref<!tpu.dma_semaphore, #tpu.memory_space<semaphore_mem>>) src(%arg3 : memref<16384xi32, #tpu.memory_space<hbm>>) dst(%arg6 : memref<16384xi32, #tpu.memory_space<vmem>>)
    %iota3A = tpu.iota {dimensions = array<i32: 0>} : vector<16xi32>
    %broadcast_in_dim3A = arith.constant 0 : i32
    %broadcast_in_dim3A_3 = vector.broadcast %broadcast_in_dim3A : i32 to vector<16xi32>
    %scan3A = arith.constant 0 : i32
    %scan3A_4 = arith.constant 0 : i32
    %scan3A_5 = arith.constant 312 : i32
    %scan3A_6 = arith.addi %scan3A_4, %scan3A_5 : i32
    %scan3A_7 = arith.constant 1 : i32
    scf.for %scan3A_461 = %scan3A_4 to %scan3A_6 step %scan3A_7  : i32 {
      %ge3A = arith.constant 8 : i32
      %ge3A_462 = arith.cmpi sge, %scan3A_461, %ge3A : i32
      %convert_element_type3A = arith.extui %ge3A_462 : i1 to i32
      %cond3A = arith.constant 0 : i32
      %cond3A_463 = arith.cmpi ne, %convert_element_type3A, %cond3A : i32
      scf.if %cond3A_463 {
        %sub3A_618 = arith.constant 8 : i32
        %sub3A_619 = arith.subi %scan3A_461, %sub3A_618 : i32
        %and3A_620 = arith.constant 7 : i32
        %and3A_621 = arith.andi %sub3A_619, %and3A_620 : i32
        %mul3A_622 = arith.constant 50 : i32
        %mul3A_623 = arith.muli %sub3A_619, %mul3A_622 : i32
        %add3A_624 = arith.addi %mul3A_2, %mul3A_623 : i32
        %dma_wait3A_625 = arith.constant 0 : i32
        %dma_wait3A_626 = arith.constant 0 : i32
        %dma_wait3A_627 = tpu.memref_slice %arg11[%and3A_621, %dma_wait3A_625, %dma_wait3A_626] : memref<8x50x64xf32, #tpu.memory_space<vmem>> -> memref<1x50x64xf32, #tpu.memory_space<vmem>>
        %dma_wait3A_628 = tpu.memref_squeeze %dma_wait3A_627 : memref<1x50x64xf32, #tpu.memory_space<vmem>> -> memref<50x64xf32, #tpu.memory_space<vmem>>
        %dma_wait3A_629 = arith.constant 0 : i32
        %dma_wait3A_630 = tpu.memref_slice %arg5[%add3A_624, %dma_wait3A_629] : memref<1000000x64xf32, #tpu.memory_space<hbm>> -> memref<50x64xf32, #tpu.memory_space<hbm>>
        %dma_wait3A_631 = tpu.memref_slice %arg14[%and3A_621] : memref<8x!tpu.dma_semaphore, #tpu.memory_space<semaphore_mem>> -> memref<1x!tpu.dma_semaphore, #tpu.memory_space<semaphore_mem>>
        %dma_wait3A_632 = tpu.memref_squeeze %dma_wait3A_631 : memref<1x!tpu.dma_semaphore, #tpu.memory_space<semaphore_mem>> -> memref<!tpu.dma_semaphore, #tpu.memory_space<semaphore_mem>>
        %dma_wait3A_633 = arith.constant 0 : i32
        %dma_wait3A_634 = tpu.memref_slice %arg5[%add3A_624, %dma_wait3A_633] : memref<1000000x64xf32, #tpu.memory_space<hbm>> -> memref<50x64xf32, #tpu.memory_space<hbm>>
        %dma_wait3A_635 = arith.constant 0 : i32
        %dma_wait3A_636 = arith.constant 0 : i32
        %dma_wait3A_637 = tpu.memref_slice %arg11[%and3A_621, %dma_wait3A_635, %dma_wait3A_636] : memref<8x50x64xf32, #tpu.memory_space<vmem>> -> memref<1x50x64xf32, #tpu.memory_space<vmem>>
        %dma_wait3A_638 = tpu.memref_squeeze %dma_wait3A_637 : memref<1x50x64xf32, #tpu.memory_space<vmem>> -> memref<50x64xf32, #tpu.memory_space<vmem>>
        tpu.wait_dma2 semaphore(%dma_wait3A_632 : memref<!tpu.dma_semaphore, #tpu.memory_space<semaphore_mem>>) src(%dma_wait3A_638 : memref<50x64xf32, #tpu.memory_space<vmem>>) dst(%dma_wait3A_634 : memref<50x64xf32, #tpu.memory_space<hbm>>)
      } else {
      }
      %and3A_464 = arith.constant 7 : i32
      %and3A_465 = arith.andi %scan3A_461, %and3A_464 : i32
      %mul3A_466 = arith.constant 50 : i32
      %mul3A_467 = arith.muli %scan3A_461, %mul3A_466 : i32
      %add3A_468 = arith.addi %mul3A_2, %mul3A_467 : i32
      %dma_start3A_469 = arith.constant 0 : i32
      %dma_start3A_470 = arith.constant 0 : i32
      %dma_start3A_471 = tpu.memref_slice %arg11[%and3A_465, %dma_start3A_469, %dma_start3A_470] : memref<8x50x64xf32, #tpu.memory_space<vmem>> -> memref<1x50x64xf32, #tpu.memory_space<vmem>>
      %dma_start3A_472 = tpu.memref_squeeze %dma_start3A_471 : memref<1x50x64xf32, #tpu.memory_space<vmem>> -> memref<50x64xf32, #tpu.memory_space<vmem>>
      %dma_start3A_473 = arith.constant 0 : i32
      %dma_start3A_474 = tpu.memref_slice %arg2[%add3A_468, %dma_start3A_473] : memref<1000000x64xf32, #tpu.memory_space<hbm>> -> memref<50x64xf32, #tpu.memory_space<hbm>>
      %dma_start3A_475 = tpu.memref_slice %arg13[%and3A_465] : memref<8x!tpu.dma_semaphore, #tpu.memory_space<semaphore_mem>> -> memref<1x!tpu.dma_semaphore, #tpu.memory_space<semaphore_mem>>
      %dma_start3A_476 = tpu.memref_squeeze %dma_start3A_475 : memref<1x!tpu.dma_semaphore, #tpu.memory_space<semaphore_mem>> -> memref<!tpu.dma_semaphore, #tpu.memory_space<semaphore_mem>>
      %dma_start3A_477 = arith.constant 0 : i32
      %dma_start3A_478 = arith.constant 0 : i32
      %dma_start3A_479 = tpu.memref_slice %arg11[%and3A_465, %dma_start3A_477, %dma_start3A_478] : memref<8x50x64xf32, #tpu.memory_space<vmem>> -> memref<1x50x64xf32, #tpu.memory_space<vmem>>
      %dma_start3A_480 = tpu.memref_squeeze %dma_start3A_479 : memref<1x50x64xf32, #tpu.memory_space<vmem>> -> memref<50x64xf32, #tpu.memory_space<vmem>>
      %dma_start3A_481 = arith.constant 0 : i32
      %dma_start3A_482 = tpu.memref_slice %arg2[%add3A_468, %dma_start3A_481] : memref<1000000x64xf32, #tpu.memory_space<hbm>> -> memref<50x64xf32, #tpu.memory_space<hbm>>
      tpu.enqueue_dma source(%dma_start3A_482 : memref<50x64xf32, #tpu.memory_space<hbm>>) target(%dma_start3A_480 : memref<50x64xf32, #tpu.memory_space<vmem>>) target_semaphore(%dma_start3A_476 : memref<!tpu.dma_semaphore, #tpu.memory_space<semaphore_mem>>)
      %ge3A_483 = arith.constant 4 : i32
      %ge3A_484 = arith.cmpi sge, %scan3A_461, %ge3A_483 : i32
      %convert_element_type3A_485 = arith.extui %ge3A_484 : i1 to i32
      %cond3A_486 = arith.constant 0 : i32
      %cond3A_487 = arith.cmpi ne, %convert_element_type3A_485, %cond3A_486 : i32
      scf.if %cond3A_487 {
        %sub3A_618 = arith.constant 4 : i32
        %sub3A_619 = arith.subi %scan3A_461, %sub3A_618 : i32
        %and3A_620 = arith.constant 7 : i32
        %and3A_621 = arith.andi %sub3A_619, %and3A_620 : i32
        %mul3A_622 = arith.constant 50 : i32
        %mul3A_623 = arith.muli %sub3A_619, %mul3A_622 : i32
        %add3A_624 = arith.addi %mul3A_2, %mul3A_623 : i32
        %dma_wait3A_625 = arith.constant 0 : i32
        %dma_wait3A_626 = arith.constant 0 : i32
        %dma_wait3A_627 = tpu.memref_slice %arg11[%and3A_621, %dma_wait3A_625, %dma_wait3A_626] : memref<8x50x64xf32, #tpu.memory_space<vmem>> -> memref<1x50x64xf32, #tpu.memory_space<vmem>>
        %dma_wait3A_628 = tpu.memref_squeeze %dma_wait3A_627 : memref<1x50x64xf32, #tpu.memory_space<vmem>> -> memref<50x64xf32, #tpu.memory_space<vmem>>
        %dma_wait3A_629 = arith.constant 0 : i32
        %dma_wait3A_630 = tpu.memref_slice %arg2[%add3A_624, %dma_wait3A_629] : memref<1000000x64xf32, #tpu.memory_space<hbm>> -> memref<50x64xf32, #tpu.memory_space<hbm>>
        %dma_wait3A_631 = tpu.memref_slice %arg13[%and3A_621] : memref<8x!tpu.dma_semaphore, #tpu.memory_space<semaphore_mem>> -> memref<1x!tpu.dma_semaphore, #tpu.memory_space<semaphore_mem>>
        %dma_wait3A_632 = tpu.memref_squeeze %dma_wait3A_631 : memref<1x!tpu.dma_semaphore, #tpu.memory_space<semaphore_mem>> -> memref<!tpu.dma_semaphore, #tpu.memory_space<semaphore_mem>>
        %dma_wait3A_633 = arith.constant 0 : i32
        %dma_wait3A_634 = arith.constant 0 : i32
        %dma_wait3A_635 = tpu.memref_slice %arg11[%and3A_621, %dma_wait3A_633, %dma_wait3A_634] : memref<8x50x64xf32, #tpu.memory_space<vmem>> -> memref<1x50x64xf32, #tpu.memory_space<vmem>>
        %dma_wait3A_636 = tpu.memref_squeeze %dma_wait3A_635 : memref<1x50x64xf32, #tpu.memory_space<vmem>> -> memref<50x64xf32, #tpu.memory_space<vmem>>
        %dma_wait3A_637 = arith.constant 0 : i32
        %dma_wait3A_638 = tpu.memref_slice %arg2[%add3A_624, %dma_wait3A_637] : memref<1000000x64xf32, #tpu.memory_space<hbm>> -> memref<50x64xf32, #tpu.memory_space<hbm>>
        tpu.wait_dma2 semaphore(%dma_wait3A_632 : memref<!tpu.dma_semaphore, #tpu.memory_space<semaphore_mem>>) src(%dma_wait3A_638 : memref<50x64xf32, #tpu.memory_space<hbm>>) dst(%dma_wait3A_636 : memref<50x64xf32, #tpu.memory_space<vmem>>)
        %sub3A_639 = arith.constant 4 : i32
        %sub3A_640 = arith.subi %scan3A_461, %sub3A_639 : i32
        %and3A_641 = arith.constant 7 : i32
        %and3A_642 = arith.andi %sub3A_640, %and3A_641 : i32
        %mul3A_643 = arith.constant 50 : i32
        %mul3A_644 = arith.muli %sub3A_640, %mul3A_643 : i32
        %add3A_645 = arith.addi %mul3A_2, %mul3A_644 : i32
        %dma_start3A_646 = arith.constant 0 : i32
        %dma_start3A_647 = arith.constant 0 : i32
        %dma_start3A_648 = tpu.memref_slice %arg11[%and3A_642, %dma_start3A_646, %dma_start3A_647] : memref<8x50x64xf32, #tpu.memory_space<vmem>> -> memref<1x50x64xf32, #tpu.memory_space<vmem>>
        %dma_start3A_649 = tpu.memref_squeeze %dma_start3A_648 : memref<1x50x64xf32, #tpu.memory_space<vmem>> -> memref<50x64xf32, #tpu.memory_space<vmem>>
        %dma_start3A_650 = arith.constant 0 : i32
        %dma_start3A_651 = tpu.memref_slice %arg5[%add3A_645, %dma_start3A_650] : memref<1000000x64xf32, #tpu.memory_space<hbm>> -> memref<50x64xf32, #tpu.memory_space<hbm>>
        %dma_start3A_652 = tpu.memref_slice %arg14[%and3A_642] : memref<8x!tpu.dma_semaphore, #tpu.memory_space<semaphore_mem>> -> memref<1x!tpu.dma_semaphore, #tpu.memory_space<semaphore_mem>>
        %dma_start3A_653 = tpu.memref_squeeze %dma_start3A_652 : memref<1x!tpu.dma_semaphore, #tpu.memory_space<semaphore_mem>> -> memref<!tpu.dma_semaphore, #tpu.memory_space<semaphore_mem>>
        %dma_start3A_654 = arith.constant 0 : i32
        %dma_start3A_655 = tpu.memref_slice %arg5[%add3A_645, %dma_start3A_654] : memref<1000000x64xf32, #tpu.memory_space<hbm>> -> memref<50x64xf32, #tpu.memory_space<hbm>>
        %dma_start3A_656 = arith.constant 0 : i32
        %dma_start3A_657 = arith.constant 0 : i32
        %dma_start3A_658 = tpu.memref_slice %arg11[%and3A_642, %dma_start3A_656, %dma_start3A_657] : memref<8x50x64xf32, #tpu.memory_space<vmem>> -> memref<1x50x64xf32, #tpu.memory_space<vmem>>
        %dma_start3A_659 = tpu.memref_squeeze %dma_start3A_658 : memref<1x50x64xf32, #tpu.memory_space<vmem>> -> memref<50x64xf32, #tpu.memory_space<vmem>>
        tpu.enqueue_dma source(%dma_start3A_659 : memref<50x64xf32, #tpu.memory_space<vmem>>) target(%dma_start3A_655 : memref<50x64xf32, #tpu.memory_space<hbm>>) target_semaphore(%dma_start3A_653 : memref<!tpu.dma_semaphore, #tpu.memory_space<semaphore_mem>>)
      } else {
      }
      %mul3A_488 = arith.constant 4 : i32
      %mul3A_489 = arith.muli %scan3A_461, %mul3A_488 : i32
      %add3A_490 = arith.constant 0 : i32
      %add3A_491 = arith.addi %mul3A_489, %add3A_490 : i32
      %min3A_492 = arith.constant 1023 : i32
      %min3A_493 = arith.minsi %add3A_491, %min3A_492 : i32
      %mul3A_494 = arith.constant 16 : i32
      %mul3A_495 = arith.muli %min3A_493, %mul3A_494 : i32
      %get3A = arith.index_cast %mul3A_495 : i32 to index
      %get3A_496 = tpu.vector_load %arg6[%get3A] {strides = array<i32>} : memref<16384xi32, #tpu.memory_space<vmem>>, vector<16xi32>,
      %mul3A_497 = arith.constant 16 : i32
      %mul3A_498 = arith.muli %min3A_493, %mul3A_497 : i32
      %add3A_499 = vector.broadcast %mul3A_498 : i32 to vector<16xi32>
      %add3A_500 = arith.addi %add3A_499, %iota3A : vector<16xi32>
      %ge3A_501 = vector.broadcast %mul3A_2 : i32 to vector<16xi32>
      %ge3A_502 = arith.cmpi sge, %get3A_496, %ge3A_501 : vector<16xi32>
      %add3A_503 = arith.constant 31250 : i32
      %add3A_504 = arith.addi %mul3A_2, %add3A_503 : i32
      %lt3A_505 = vector.broadcast %add3A_504 : i32 to vector<16xi32>
      %lt3A_506 = arith.cmpi slt, %get3A_496, %lt3A_505 : vector<16xi32>
      %and3A_507 = arith.andi %ge3A_502, %lt3A_506 : vector<16xi1>
      %lt3A_508 = arith.constant 1024 : i32
      %lt3A_509 = arith.cmpi slt, %add3A_491, %lt3A_508 : i32
      %and3A_510 = vector.broadcast %lt3A_509 : i1 to vector<16xi1>
      %and3A_511 = arith.andi %and3A_507, %and3A_510 : vector<16xi1>
      %sub3A = vector.broadcast %mul3A_2 : i32 to vector<16xi32>
      %sub3A_512 = arith.subi %get3A_496, %sub3A : vector<16xi32>
      %jit3A_513 = arith.constant 0 : i32
      %jit3A_514 = arith.constant 31249 : i32
      %max3A_515 = vector.broadcast %jit3A_513 : i32 to vector<16xi32>
      %max3A_516 = arith.maxsi %max3A_515, %sub3A_512 : vector<16xi32>
      %min3A_517 = vector.broadcast %jit3A_514 : i32 to vector<16xi32>
      %min3A_518 = arith.minsi %min3A_517, %max3A_516 : vector<16xi32>
      tpu.vector_store_idx %arg7[%min3A_518], %add3A_500 masked %and3A_511 : memref<31250xi32, #tpu.memory_space<vmem>>[vector<16xi32>], vector<16xi32>, vector<16xi1>
      %mul3A_519 = arith.constant 4 : i32
      %mul3A_520 = arith.muli %scan3A_461, %mul3A_519 : i32
      %add3A_521 = arith.constant 1 : i32
      %add3A_522 = arith.addi %mul3A_520, %add3A_521 : i32
      %min3A_523 = arith.constant 1023 : i32
      %min3A_524 = arith.minsi %add3A_522, %min3A_523 : i32
      %mul3A_525 = arith.constant 16 : i32
      %mul3A_526 = arith.muli %min3A_524, %mul3A_525 : i32
      %get3A_527 = arith.index_cast %mul3A_526 : i32 to index
      %get3A_528 = tpu.vector_load %arg6[%get3A_527] {strides = array<i32>} : memref<16384xi32, #tpu.memory_space<vmem>>, vector<16xi32>,
      %mul3A_529 = arith.constant 16 : i32
      %mul3A_530 = arith.muli %min3A_524, %mul3A_529 : i32
      %add3A_531 = vector.broadcast %mul3A_530 : i32 to vector<16xi32>
      %add3A_532 = arith.addi %add3A_531, %iota3A : vector<16xi32>
      %ge3A_533 = vector.broadcast %mul3A_2 : i32 to vector<16xi32>
      %ge3A_534 = arith.cmpi sge, %get3A_528, %ge3A_533 : vector<16xi32>
      %add3A_535 = arith.constant 31250 : i32
      %add3A_536 = arith.addi %mul3A_2, %add3A_535 : i32
      %lt3A_537 = vector.broadcast %add3A_536 : i32 to vector<16xi32>
      %lt3A_538 = arith.cmpi slt, %get3A_528, %lt3A_537 : vector<16xi32>
      %and3A_539 = arith.andi %ge3A_534, %lt3A_538 : vector<16xi1>
      %lt3A_540 = arith.constant 1024 : i32
      %lt3A_541 = arith.cmpi slt, %add3A_522, %lt3A_540 : i32
      %and3A_542 = vector.broadcast %lt3A_541 : i1 to vector<16xi1>
      %and3A_543 = arith.andi %and3A_539, %and3A_542 : vector<16xi1>
      %sub3A_544 = vector.broadcast %mul3A_2 : i32 to vector<16xi32>
      %sub3A_545 = arith.subi %get3A_528, %sub3A_544 : vector<16xi32>
      %jit3A_546 = arith.constant 0 : i32
      %jit3A_547 = arith.constant 31249 : i32
      %max3A_548 = vector.broadcast %jit3A_546 : i32 to vector<16xi32>
      %max3A_549 = arith.maxsi %max3A_548, %sub3A_545 : vector<16xi32>
      %min3A_550 = vector.broadcast %jit3A_547 : i32 to vector<16xi32>
      %min3A_551 = arith.minsi %min3A_550, %max3A_549 : vector<16xi32>
      tpu.vector_store_idx %arg7[%min3A_551], %add3A_532 masked %and3A_543 : memref<31250xi32, #tpu.memory_space<vmem>>[vector<16xi32>], vector<16xi32>, vector<16xi1>
      %mul3A_552 = arith.constant 4 : i32
      %mul3A_553 = arith.muli %scan3A_461, %mul3A_552 : i32
      %add3A_554 = arith.constant 2 : i32
      %add3A_555 = arith.addi %mul3A_553, %add3A_554 : i32
      %min3A_556 = arith.constant 1023 : i32
      %min3A_557 = arith.minsi %add3A_555, %min3A_556 : i32
      %mul3A_558 = arith.constant 16 : i32
      %mul3A_559 = arith.muli %min3A_557, %mul3A_558 : i32
      %get3A_560 = arith.index_cast %mul3A_559 : i32 to index
      %get3A_561 = tpu.vector_load %arg6[%get3A_560] {strides = array<i32>} : memref<16384xi32, #tpu.memory_space<vmem>>, vector<16xi32>,
      %mul3A_562 = arith.constant 16 : i32
      %mul3A_563 = arith.muli %min3A_557, %mul3A_562 : i32
      %add3A_564 = vector.broadcast %mul3A_563 : i32 to vector<16xi32>
      %add3A_565 = arith.addi %add3A_564, %iota3A : vector<16xi32>
      %ge3A_566 = vector.broadcast %mul3A_2 : i32 to vector<16xi32>
      %ge3A_567 = arith.cmpi sge, %get3A_561, %ge3A_566 : vector<16xi32>
      %add3A_568 = arith.constant 31250 : i32
      %add3A_569 = arith.addi %mul3A_2, %add3A_568 : i32
      %lt3A_570 = vector.broadcast %add3A_569 : i32 to vector<16xi32>
      %lt3A_571 = arith.cmpi slt, %get3A_561, %lt3A_570 : vector<16xi32>
      %and3A_572 = arith.andi %ge3A_567, %lt3A_571 : vector<16xi1>
      %lt3A_573 = arith.constant 1024 : i32
      %lt3A_574 = arith.cmpi slt, %add3A_555, %lt3A_573 : i32
      %and3A_575 = vector.broadcast %lt3A_574 : i1 to vector<16xi1>
      %and3A_576 = arith.andi %and3A_572, %and3A_575 : vector<16xi1>
      %sub3A_577 = vector.broadcast %mul3A_2 : i32 to vector<16xi32>
      %sub3A_578 = arith.subi %get3A_561, %sub3A_577 : vector<16xi32>
      %jit3A_579 = arith.constant 0 : i32
      %jit3A_580 = arith.constant 31249 : i32
      %max3A_581 = vector.broadcast %jit3A_579 : i32 to vector<16xi32>
      %max3A_582 = arith.maxsi %max3A_581, %sub3A_578 : vector<16xi32>
      %min3A_583 = vector.broadcast %jit3A_580 : i32 to vector<16xi32>
      %min3A_584 = arith.minsi %min3A_583, %max3A_582 : vector<16xi32>
      tpu.vector_store_idx %arg7[%min3A_584], %add3A_565 masked %and3A_576 : memref<31250xi32, #tpu.memory_space<vmem>>[vector<16xi32>], vector<16xi32>, vector<16xi1>
      %mul3A_585 = arith.constant 4 : i32
      %mul3A_586 = arith.muli %scan3A_461, %mul3A_585 : i32
      %add3A_587 = arith.constant 3 : i32
      %add3A_588 = arith.addi %mul3A_586, %add3A_587 : i32
      %min3A_589 = arith.constant 1023 : i32
      %min3A_590 = arith.minsi %add3A_588, %min3A_589 : i32
      %mul3A_591 = arith.constant 16 : i32
      %mul3A_592 = arith.muli %min3A_590, %mul3A_591 : i32
      %get3A_593 = arith.index_cast %mul3A_592 : i32 to index
      %get3A_594 = tpu.vector_load %arg6[%get3A_593] {strides = array<i32>} : memref<16384xi32, #tpu.memory_space<vmem>>, vector<16xi32>,
      %mul3A_595 = arith.constant 16 : i32
      %mul3A_596 = arith.muli %min3A_590, %mul3A_595 : i32
      %add3A_597 = vector.broadcast %mul3A_596 : i32 to vector<16xi32>
      %add3A_598 = arith.addi %add3A_597, %iota3A : vector<16xi32>
      %ge3A_599 = vector.broadcast %mul3A_2 : i32 to vector<16xi32>
      %ge3A_600 = arith.cmpi sge, %get3A_594, %ge3A_599 : vector<16xi32>
      %add3A_601 = arith.constant 31250 : i32
      %add3A_602 = arith.addi %mul3A_2, %add3A_601 : i32
      %lt3A_603 = vector.broadcast %add3A_602 : i32 to vector<16xi32>
      %lt3A_604 = arith.cmpi slt, %get3A_594, %lt3A_603 : vector<16xi32>
      %and3A_605 = arith.andi %ge3A_600, %lt3A_604 : vector<16xi1>
      %lt3A_606 = arith.constant 1024 : i32
      %lt3A_607 = arith.cmpi slt, %add3A_588, %lt3A_606 : i32
      %and3A_608 = vector.broadcast %lt3A_607 : i1 to vector<16xi1>
      %and3A_609 = arith.andi %and3A_605, %and3A_608 : vector<16xi1>
      %sub3A_610 = vector.broadcast %mul3A_2 : i32 to vector<16xi32>
      %sub3A_611 = arith.subi %get3A_594, %sub3A_610 : vector<16xi32>
      %jit3A_612 = arith.constant 0 : i32
      %jit3A_613 = arith.constant 31249 : i32
      %max3A_614 = vector.broadcast %jit3A_612 : i32 to vector<16xi32>
      %max3A_615 = arith.maxsi %max3A_614, %sub3A_611 : vector<16xi32>
      %min3A_616 = vector.broadcast %jit3A_613 : i32 to vector<16xi32>
      %min3A_617 = arith.minsi %min3A_616, %max3A_615 : vector<16xi32>
      tpu.vector_store_idx %arg7[%min3A_617], %add3A_598 masked %and3A_609 : memref<31250xi32, #tpu.memory_space<vmem>>[vector<16xi32>], vector<16xi32>, vector<16xi1>
    }
    %scan3A_8 = arith.constant 312 : i32
    %scan3A_9 = arith.constant 0 : i32
    %scan3A_10 = arith.constant 0 : i32
    %scan3A_11 = arith.constant 0 : i32
    %scan3A_12 = arith.constant 312 : i32
    %scan3A_13 = arith.constant 313 : i32
    %scan3A_14 = arith.addi %scan3A_12, %scan3A_13 : i32
    %scan3A_15 = arith.constant 1 : i32
    %scan3A_16:3 = scf.for %scan3A_461 = %scan3A_12 to %scan3A_14 step %scan3A_15 iter_args(%scan3A_462 = %scan3A_9, %scan3A_463 = %scan3A_10, %scan3A_464 = %scan3A_11) -> (i32, i32, i32)  : i32 {
      %ge3A = arith.constant 8 : i32
      %ge3A_465 = arith.cmpi sge, %scan3A_461, %ge3A : i32
      %convert_element_type3A = arith.extui %ge3A_465 : i1 to i32
      %cond3A = arith.constant 0 : i32
      %cond3A_466 = arith.cmpi ne, %convert_element_type3A, %cond3A : i32
      scf.if %cond3A_466 {
        %sub3A_815 = arith.constant 8 : i32
        %sub3A_816 = arith.subi %scan3A_461, %sub3A_815 : i32
        %and3A_817 = arith.constant 7 : i32
        %and3A_818 = arith.andi %sub3A_816, %and3A_817 : i32
        %mul3A_819 = arith.constant 50 : i32
        %mul3A_820 = arith.muli %sub3A_816, %mul3A_819 : i32
        %add3A_821 = arith.addi %mul3A_2, %mul3A_820 : i32
        %dma_wait3A_822 = arith.constant 0 : i32
        %dma_wait3A_823 = arith.constant 0 : i32
        %dma_wait3A_824 = tpu.memref_slice %arg11[%and3A_818, %dma_wait3A_822, %dma_wait3A_823] : memref<8x50x64xf32, #tpu.memory_space<vmem>> -> memref<1x50x64xf32, #tpu.memory_space<vmem>>
        %dma_wait3A_825 = tpu.memref_squeeze %dma_wait3A_824 : memref<1x50x64xf32, #tpu.memory_space<vmem>> -> memref<50x64xf32, #tpu.memory_space<vmem>>
        %dma_wait3A_826 = arith.constant 0 : i32
        %dma_wait3A_827 = tpu.memref_slice %arg5[%add3A_821, %dma_wait3A_826] : memref<1000000x64xf32, #tpu.memory_space<hbm>> -> memref<50x64xf32, #tpu.memory_space<hbm>>
        %dma_wait3A_828 = tpu.memref_slice %arg14[%and3A_818] : memref<8x!tpu.dma_semaphore, #tpu.memory_space<semaphore_mem>> -> memref<1x!tpu.dma_semaphore, #tpu.memory_space<semaphore_mem>>
        %dma_wait3A_829 = tpu.memref_squeeze %dma_wait3A_828 : memref<1x!tpu.dma_semaphore, #tpu.memory_space<semaphore_mem>> -> memref<!tpu.dma_semaphore, #tpu.memory_space<semaphore_mem>>
        %dma_wait3A_830 = arith.constant 0 : i32
        %dma_wait3A_831 = tpu.memref_slice %arg5[%add3A_821, %dma_wait3A_830] : memref<1000000x64xf32, #tpu.memory_space<hbm>> -> memref<50x64xf32, #tpu.memory_space<hbm>>
        %dma_wait3A_832 = arith.constant 0 : i32
        %dma_wait3A_833 = arith.constant 0 : i32
        %dma_wait3A_834 = tpu.memref_slice %arg11[%and3A_818, %dma_wait3A_832, %dma_wait3A_833] : memref<8x50x64xf32, #tpu.memory_space<vmem>> -> memref<1x50x64xf32, #tpu.memory_space<vmem>>
        %dma_wait3A_835 = tpu.memref_squeeze %dma_wait3A_834 : memref<1x50x64xf32, #tpu.memory_space<vmem>> -> memref<50x64xf32, #tpu.memory_space<vmem>>
        tpu.wait_dma2 semaphore(%dma_wait3A_829 : memref<!tpu.dma_semaphore, #tpu.memory_space<semaphore_mem>>) src(%dma_wait3A_835 : memref<50x64xf32, #tpu.memory_space<vmem>>) dst(%dma_wait3A_831 : memref<50x64xf32, #tpu.memory_space<hbm>>)
      } else {
      }
      %and3A_467 = arith.constant 7 : i32
      %and3A_468 = arith.andi %scan3A_461, %and3A_467 : i32
      %mul3A_469 = arith.constant 50 : i32
      %mul3A_470 = arith.muli %scan3A_461, %mul3A_469 : i32
      %add3A_471 = arith.addi %mul3A_2, %mul3A_470 : i32
      %dma_start3A_472 = arith.constant 0 : i32
      %dma_start3A_473 = arith.constant 0 : i32
      %dma_start3A_474 = tpu.memref_slice %arg11[%and3A_468, %dma_start3A_472, %dma_start3A_473] : memref<8x50x64xf32, #tpu.memory_space<vmem>> -> memref<1x50x64xf32, #tpu.memory_space<vmem>>
      %dma_start3A_475 = tpu.memref_squeeze %dma_start3A_474 : memref<1x50x64xf32, #tpu.memory_space<vmem>> -> memref<50x64xf32, #tpu.memory_space<vmem>>
      %dma_start3A_476 = arith.constant 0 : i32
      %dma_start3A_477 = tpu.memref_slice %arg2[%add3A_471, %dma_start3A_476] : memref<1000000x64xf32, #tpu.memory_space<hbm>> -> memref<50x64xf32, #tpu.memory_space<hbm>>
      %dma_start3A_478 = tpu.memref_slice %arg13[%and3A_468] : memref<8x!tpu.dma_semaphore, #tpu.memory_space<semaphore_mem>> -> memref<1x!tpu.dma_semaphore, #tpu.memory_space<semaphore_mem>>
      %dma_start3A_479 = tpu.memref_squeeze %dma_start3A_478 : memref<1x!tpu.dma_semaphore, #tpu.memory_space<semaphore_mem>> -> memref<!tpu.dma_semaphore, #tpu.memory_space<semaphore_mem>>
      %dma_start3A_480 = arith.constant 0 : i32
      %dma_start3A_481 = arith.constant 0 : i32
      %dma_start3A_482 = tpu.memref_slice %arg11[%and3A_468, %dma_start3A_480, %dma_start3A_481] : memref<8x50x64xf32, #tpu.memory_space<vmem>> -> memref<1x50x64xf32, #tpu.memory_space<vmem>>
      %dma_start3A_483 = tpu.memref_squeeze %dma_start3A_482 : memref<1x50x64xf32, #tpu.memory_space<vmem>> -> memref<50x64xf32, #tpu.memory_space<vmem>>
      %dma_start3A_484 = arith.constant 0 : i32
      %dma_start3A_485 = tpu.memref_slice %arg2[%add3A_471, %dma_start3A_484] : memref<1000000x64xf32, #tpu.memory_space<hbm>> -> memref<50x64xf32, #tpu.memory_space<hbm>>
      tpu.enqueue_dma source(%dma_start3A_485 : memref<50x64xf32, #tpu.memory_space<hbm>>) target(%dma_start3A_483 : memref<50x64xf32, #tpu.memory_space<vmem>>) target_semaphore(%dma_start3A_479 : memref<!tpu.dma_semaphore, #tpu.memory_space<semaphore_mem>>)
      %ge3A_486 = arith.constant 4 : i32
      %ge3A_487 = arith.cmpi sge, %scan3A_461, %ge3A_486 : i32
      %convert_element_type3A_488 = arith.extui %ge3A_487 : i1 to i32
      %cond3A_489 = arith.constant 0 : i32
      %cond3A_490 = arith.cmpi ne, %convert_element_type3A_488, %cond3A_489 : i32
      scf.if %cond3A_490 {
        %sub3A_815 = arith.constant 4 : i32
        %sub3A_816 = arith.subi %scan3A_461, %sub3A_815 : i32
        %and3A_817 = arith.constant 7 : i32
        %and3A_818 = arith.andi %sub3A_816, %and3A_817 : i32
        %mul3A_819 = arith.constant 50 : i32
        %mul3A_820 = arith.muli %sub3A_816, %mul3A_819 : i32
        %add3A_821 = arith.addi %mul3A_2, %mul3A_820 : i32
        %dma_wait3A_822 = arith.constant 0 : i32
        %dma_wait3A_823 = arith.constant 0 : i32
        %dma_wait3A_824 = tpu.memref_slice %arg11[%and3A_818, %dma_wait3A_822, %dma_wait3A_823] : memref<8x50x64xf32, #tpu.memory_space<vmem>> -> memref<1x50x64xf32, #tpu.memory_space<vmem>>
        %dma_wait3A_825 = tpu.memref_squeeze %dma_wait3A_824 : memref<1x50x64xf32, #tpu.memory_space<vmem>> -> memref<50x64xf32, #tpu.memory_space<vmem>>
        %dma_wait3A_826 = arith.constant 0 : i32
        %dma_wait3A_827 = tpu.memref_slice %arg2[%add3A_821, %dma_wait3A_826] : memref<1000000x64xf32, #tpu.memory_space<hbm>> -> memref<50x64xf32, #tpu.memory_space<hbm>>
        %dma_wait3A_828 = tpu.memref_slice %arg13[%and3A_818] : memref<8x!tpu.dma_semaphore, #tpu.memory_space<semaphore_mem>> -> memref<1x!tpu.dma_semaphore, #tpu.memory_space<semaphore_mem>>
        %dma_wait3A_829 = tpu.memref_squeeze %dma_wait3A_828 : memref<1x!tpu.dma_semaphore, #tpu.memory_space<semaphore_mem>> -> memref<!tpu.dma_semaphore, #tpu.memory_space<semaphore_mem>>
        %dma_wait3A_830 = arith.constant 0 : i32
        %dma_wait3A_831 = arith.constant 0 : i32
        %dma_wait3A_832 = tpu.memref_slice %arg11[%and3A_818, %dma_wait3A_830, %dma_wait3A_831] : memref<8x50x64xf32, #tpu.memory_space<vmem>> -> memref<1x50x64xf32, #tpu.memory_space<vmem>>
        %dma_wait3A_833 = tpu.memref_squeeze %dma_wait3A_832 : memref<1x50x64xf32, #tpu.memory_space<vmem>> -> memref<50x64xf32, #tpu.memory_space<vmem>>
        %dma_wait3A_834 = arith.constant 0 : i32
        %dma_wait3A_835 = tpu.memref_slice %arg2[%add3A_821, %dma_wait3A_834] : memref<1000000x64xf32, #tpu.memory_space<hbm>> -> memref<50x64xf32, #tpu.memory_space<hbm>>
        tpu.wait_dma2 semaphore(%dma_wait3A_829 : memref<!tpu.dma_semaphore, #tpu.memory_space<semaphore_mem>>) src(%dma_wait3A_835 : memref<50x64xf32, #tpu.memory_space<hbm>>) dst(%dma_wait3A_833 : memref<50x64xf32, #tpu.memory_space<vmem>>)
        %sub3A_836 = arith.constant 4 : i32
        %sub3A_837 = arith.subi %scan3A_461, %sub3A_836 : i32
        %and3A_838 = arith.constant 7 : i32
        %and3A_839 = arith.andi %sub3A_837, %and3A_838 : i32
        %mul3A_840 = arith.constant 50 : i32
        %mul3A_841 = arith.muli %sub3A_837, %mul3A_840 : i32
        %add3A_842 = arith.addi %mul3A_2, %mul3A_841 : i32
        %dma_start3A_843 = arith.constant 0 : i32
        %dma_start3A_844 = arith.constant 0 : i32
        %dma_start3A_845 = tpu.memref_slice %arg11[%and3A_839, %dma_start3A_843, %dma_start3A_844] : memref<8x50x64xf32, #tpu.memory_space<vmem>> -> memref<1x50x64xf32, #tpu.memory_space<vmem>>
        %dma_start3A_846 = tpu.memref_squeeze %dma_start3A_845 : memref<1x50x64xf32, #tpu.memory_space<vmem>> -> memref<50x64xf32, #tpu.memory_space<vmem>>
        %dma_start3A_847 = arith.constant 0 : i32
        %dma_start3A_848 = tpu.memref_slice %arg5[%add3A_842, %dma_start3A_847] : memref<1000000x64xf32, #tpu.memory_space<hbm>> -> memref<50x64xf32, #tpu.memory_space<hbm>>
        %dma_start3A_849 = tpu.memref_slice %arg14[%and3A_839] : memref<8x!tpu.dma_semaphore, #tpu.memory_space<semaphore_mem>> -> memref<1x!tpu.dma_semaphore, #tpu.memory_space<semaphore_mem>>
        %dma_start3A_850 = tpu.memref_squeeze %dma_start3A_849 : memref<1x!tpu.dma_semaphore, #tpu.memory_space<semaphore_mem>> -> memref<!tpu.dma_semaphore, #tpu.memory_space<semaphore_mem>>
        %dma_start3A_851 = arith.constant 0 : i32
        %dma_start3A_852 = tpu.memref_slice %arg5[%add3A_842, %dma_start3A_851] : memref<1000000x64xf32, #tpu.memory_space<hbm>> -> memref<50x64xf32, #tpu.memory_space<hbm>>
        %dma_start3A_853 = arith.constant 0 : i32
        %dma_start3A_854 = arith.constant 0 : i32
        %dma_start3A_855 = tpu.memref_slice %arg11[%and3A_839, %dma_start3A_853, %dma_start3A_854] : memref<8x50x64xf32, #tpu.memory_space<vmem>> -> memref<1x50x64xf32, #tpu.memory_space<vmem>>
        %dma_start3A_856 = tpu.memref_squeeze %dma_start3A_855 : memref<1x50x64xf32, #tpu.memory_space<vmem>> -> memref<50x64xf32, #tpu.memory_space<vmem>>
        tpu.enqueue_dma source(%dma_start3A_856 : memref<50x64xf32, #tpu.memory_space<vmem>>) target(%dma_start3A_852 : memref<50x64xf32, #tpu.memory_space<hbm>>) target_semaphore(%dma_start3A_850 : memref<!tpu.dma_semaphore, #tpu.memory_space<semaphore_mem>>)
      } else {
      }
      %sub3A = arith.constant 312 : i32
      %sub3A_491 = arith.subi %scan3A_461, %sub3A : i32
      %mul3A_492 = arith.constant 4 : i32
      %mul3A_493 = arith.muli %sub3A_491, %mul3A_492 : i32
      %add3A_494 = arith.constant 0 : i32
      %add3A_495 = arith.addi %mul3A_493, %add3A_494 : i32
      %min3A_496 = arith.constant 1023 : i32
      %min3A_497 = arith.minsi %add3A_495, %min3A_496 : i32
      %mul3A_498 = arith.constant 16 : i32
      %mul3A_499 = arith.muli %min3A_497, %mul3A_498 : i32
      %get3A = arith.index_cast %mul3A_499 : i32 to index
      %get3A_500 = tpu.vector_load %arg6[%get3A] {strides = array<i32>} : memref<16384xi32, #tpu.memory_space<vmem>>, vector<16xi32>,
      %mul3A_501 = arith.constant 16 : i32
      %mul3A_502 = arith.muli %min3A_497, %mul3A_501 : i32
      %add3A_503 = vector.broadcast %mul3A_502 : i32 to vector<16xi32>
      %add3A_504 = arith.addi %add3A_503, %iota3A : vector<16xi32>
      %ge3A_505 = vector.broadcast %mul3A_2 : i32 to vector<16xi32>
      %ge3A_506 = arith.cmpi sge, %get3A_500, %ge3A_505 : vector<16xi32>
      %add3A_507 = arith.constant 31250 : i32
      %add3A_508 = arith.addi %mul3A_2, %add3A_507 : i32
      %lt3A_509 = vector.broadcast %add3A_508 : i32 to vector<16xi32>
      %lt3A_510 = arith.cmpi slt, %get3A_500, %lt3A_509 : vector<16xi32>
      %and3A_511 = arith.andi %ge3A_506, %lt3A_510 : vector<16xi1>
      %lt3A_512 = arith.constant 1024 : i32
      %lt3A_513 = arith.cmpi slt, %add3A_495, %lt3A_512 : i32
      %and3A_514 = vector.broadcast %lt3A_513 : i1 to vector<16xi1>
      %and3A_515 = arith.andi %and3A_511, %and3A_514 : vector<16xi1>
      %sub3A_516 = vector.broadcast %mul3A_2 : i32 to vector<16xi32>
      %sub3A_517 = arith.subi %get3A_500, %sub3A_516 : vector<16xi32>
      %jit3A_518 = arith.constant 0 : i32
      %jit3A_519 = arith.constant 31249 : i32
      %max3A_520 = vector.broadcast %jit3A_518 : i32 to vector<16xi32>
      %max3A_521 = arith.maxsi %max3A_520, %sub3A_517 : vector<16xi32>
      %min3A_522 = vector.broadcast %jit3A_519 : i32 to vector<16xi32>
      %min3A_523 = arith.minsi %min3A_522, %max3A_521 : vector<16xi32>
      %gather3A = tpu.vector_load_idx %arg7[%min3A_523] masked %and3A_515 : memref<31250xi32, #tpu.memory_space<vmem>>[vector<16xi32>], vector<16xi32>, vector<16xi1>
      %eq3A = arith.cmpi eq, %gather3A, %add3A_504 : vector<16xi32>
      %and3A_524 = arith.andi %and3A_515, %eq3A : vector<16xi1>
      %convert_element_type3A_525 = arith.extui %and3A_524 : vector<16xi1> to vector<16xi32>
      %broadcast_in_dim3A_526 = arith.constant true
      %broadcast_in_dim3A_527 = vector.broadcast %broadcast_in_dim3A_526 : i1 to vector<16xi1>
      %masked_cumsum3A = tpu.scan <sum>, %convert_element_type3A_525 masked %broadcast_in_dim3A_527 : vector<16xi32>, vector<16xi1> -> vector<16xi32>
      %reduce_sum3A = arith.constant true
      %reduce_sum3A_528 = vector.broadcast %reduce_sum3A : i1 to vector<16xi1>
      %reduce_sum3A_529 = tpu.scan <sum>, %convert_element_type3A_525 masked %reduce_sum3A_528 : vector<16xi32>, vector<16xi1> -> vector<16xi32>
      %reduce_sum3A_530 = vector.extract %reduce_sum3A_529[15] : i32 from vector<16xi32>
      %add3A_531 = vector.broadcast %scan3A_462 : i32 to vector<16xi32>
      %add3A_532 = arith.addi %add3A_531, %masked_cumsum3A : vector<16xi32>
      %sub3A_533 = arith.constant 1 : i32
      %sub3A_534 = vector.broadcast %sub3A_533 : i32 to vector<16xi32>
      %sub3A_535 = arith.subi %add3A_532, %sub3A_534 : vector<16xi32>
      %jit3A_536 = arith.constant 0 : i32
      %jit3A_537 = arith.constant 16383 : i32
      %max3A_538 = vector.broadcast %jit3A_536 : i32 to vector<16xi32>
      %max3A_539 = arith.maxsi %max3A_538, %sub3A_535 : vector<16xi32>
      %min3A_540 = vector.broadcast %jit3A_537 : i32 to vector<16xi32>
      %min3A_541 = arith.minsi %min3A_540, %max3A_539 : vector<16xi32>
      %shift_right_arithmetic3A_542 = arith.constant 7 : i32
      %shift_right_arithmetic3A_543 = vector.broadcast %shift_right_arithmetic3A_542 : i32 to vector<16xi32>
      %shift_right_arithmetic3A_544 = arith.shrsi %min3A_541, %shift_right_arithmetic3A_543 : vector<16xi32>
      %and3A_545 = arith.constant 127 : i32
      %and3A_546 = vector.broadcast %and3A_545 : i32 to vector<16xi32>
      %and3A_547 = arith.andi %min3A_541, %and3A_546 : vector<16xi32>
      tpu.vector_store_idx %arg8[%shift_right_arithmetic3A_544, %and3A_547], %get3A_500 masked %and3A_524 : memref<128x128xi32, #tpu.memory_space<vmem>>[vector<16xi32>, vector<16xi32>], vector<16xi32>, vector<16xi1>
      tpu.vector_store_idx %arg9[%shift_right_arithmetic3A_544, %and3A_547], %add3A_504 masked %and3A_524 : memref<128x128xi32, #tpu.memory_space<vmem>>[vector<16xi32>, vector<16xi32>], vector<16xi32>, vector<16xi1>
      %add3A_548 = arith.addi %scan3A_462, %reduce_sum3A_530 : i32
      %sub3A_549 = arith.constant 1 : i32
      %sub3A_550 = arith.subi %add3A_548, %sub3A_549 : i32
      %eq3A_551 = vector.broadcast %sub3A_550 : i32 to vector<16xi32>
      %eq3A_552 = arith.cmpi eq, %sub3A_535, %eq3A_551 : vector<16xi32>
      %and3A_553 = arith.andi %and3A_524, %eq3A_552 : vector<16xi1>
      %select_n3A = arith.select %and3A_553, %get3A_500, %broadcast_in_dim3A_3 : vector<16xi1>, vector<16xi32>
      %reduce_sum3A_554 = arith.constant true
      %reduce_sum3A_555 = vector.broadcast %reduce_sum3A_554 : i1 to vector<16xi1>
      %reduce_sum3A_556 = tpu.scan <sum>, %select_n3A masked %reduce_sum3A_555 : vector<16xi32>, vector<16xi1> -> vector<16xi32>
      %reduce_sum3A_557 = vector.extract %reduce_sum3A_556[15] : i32 from vector<16xi32>
      %select_n3A_558 = arith.select %and3A_553, %add3A_504, %broadcast_in_dim3A_3 : vector<16xi1>, vector<16xi32>
      %reduce_sum3A_559 = arith.constant true
      %reduce_sum3A_560 = vector.broadcast %reduce_sum3A_559 : i1 to vector<16xi1>
      %reduce_sum3A_561 = tpu.scan <sum>, %select_n3A_558 masked %reduce_sum3A_560 : vector<16xi32>, vector<16xi1> -> vector<16xi32>
      %reduce_sum3A_562 = vector.extract %reduce_sum3A_561[15] : i32 from vector<16xi32>
      %gt3A = arith.constant 0 : i32
      %gt3A_563 = arith.cmpi sgt, %reduce_sum3A_530, %gt3A : i32
      %select_n3A_564 = arith.select %gt3A_563, %reduce_sum3A_557, %scan3A_463 : i32
      %select_n3A_565 = arith.select %gt3A_563, %reduce_sum3A_562, %scan3A_464 : i32
      %sub3A_566 = arith.constant 312 : i32
      %sub3A_567 = arith.subi %scan3A_461, %sub3A_566 : i32
      %mul3A_568 = arith.constant 4 : i32
      %mul3A_569 = arith.muli %sub3A_567, %mul3A_568 : i32
      %add3A_570 = arith.constant 1 : i32
      %add3A_571 = arith.addi %mul3A_569, %add3A_570 : i32
      %min3A_572 = arith.constant 1023 : i32
      %min3A_573 = arith.minsi %add3A_571, %min3A_572 : i32
      %mul3A_574 = arith.constant 16 : i32
      %mul3A_575 = arith.muli %min3A_573, %mul3A_574 : i32
      %get3A_576 = arith.index_cast %mul3A_575 : i32 to index
      %get3A_577 = tpu.vector_load %arg6[%get3A_576] {strides = array<i32>} : memref<16384xi32, #tpu.memory_space<vmem>>, vector<16xi32>,
      %mul3A_578 = arith.constant 16 : i32
      %mul3A_579 = arith.muli %min3A_573, %mul3A_578 : i32
      %add3A_580 = vector.broadcast %mul3A_579 : i32 to vector<16xi32>
      %add3A_581 = arith.addi %add3A_580, %iota3A : vector<16xi32>
      %ge3A_582 = vector.broadcast %mul3A_2 : i32 to vector<16xi32>
      %ge3A_583 = arith.cmpi sge, %get3A_577, %ge3A_582 : vector<16xi32>
      %add3A_584 = arith.constant 31250 : i32
      %add3A_585 = arith.addi %mul3A_2, %add3A_584 : i32
      %lt3A_586 = vector.broadcast %add3A_585 : i32 to vector<16xi32>
      %lt3A_587 = arith.cmpi slt, %get3A_577, %lt3A_586 : vector<16xi32>
      %and3A_588 = arith.andi %ge3A_583, %lt3A_587 : vector<16xi1>
      %lt3A_589 = arith.constant 1024 : i32
      %lt3A_590 = arith.cmpi slt, %add3A_571, %lt3A_589 : i32
      %and3A_591 = vector.broadcast %lt3A_590 : i1 to vector<16xi1>
      %and3A_592 = arith.andi %and3A_588, %and3A_591 : vector<16xi1>
      %sub3A_593 = vector.broadcast %mul3A_2 : i32 to vector<16xi32>
      %sub3A_594 = arith.subi %get3A_577, %sub3A_593 : vector<16xi32>
      %jit3A_595 = arith.constant 0 : i32
      %jit3A_596 = arith.constant 31249 : i32
      %max3A_597 = vector.broadcast %jit3A_595 : i32 to vector<16xi32>
      %max3A_598 = arith.maxsi %max3A_597, %sub3A_594 : vector<16xi32>
      %min3A_599 = vector.broadcast %jit3A_596 : i32 to vector<16xi32>
      %min3A_600 = arith.minsi %min3A_599, %max3A_598 : vector<16xi32>
      %gather3A_601 = tpu.vector_load_idx %arg7[%min3A_600] masked %and3A_592 : memref<31250xi32, #tpu.memory_space<vmem>>[vector<16xi32>], vector<16xi32>, vector<16xi1>
      %eq3A_602 = arith.cmpi eq, %gather3A_601, %add3A_581 : vector<16xi32>
      %and3A_603 = arith.andi %and3A_592, %eq3A_602 : vector<16xi1>
      %convert_element_type3A_604 = arith.extui %and3A_603 : vector<16xi1> to vector<16xi32>
      %broadcast_in_dim3A_605 = arith.constant true
      %broadcast_in_dim3A_606 = vector.broadcast %broadcast_in_dim3A_605 : i1 to vector<16xi1>
      %masked_cumsum3A_607 = tpu.scan <sum>, %convert_element_type3A_604 masked %broadcast_in_dim3A_606 : vector<16xi32>, vector<16xi1> -> vector<16xi32>
      %reduce_sum3A_608 = arith.constant true
      %reduce_sum3A_609 = vector.broadcast %reduce_sum3A_608 : i1 to vector<16xi1>
      %reduce_sum3A_610 = tpu.scan <sum>, %convert_element_type3A_604 masked %reduce_sum3A_609 : vector<16xi32>, vector<16xi1> -> vector<16xi32>
      %reduce_sum3A_611 = vector.extract %reduce_sum3A_610[15] : i32 from vector<16xi32>
      %add3A_612 = vector.broadcast %add3A_548 : i32 to vector<16xi32>
      %add3A_613 = arith.addi %add3A_612, %masked_cumsum3A_607 : vector<16xi32>
      %sub3A_614 = arith.constant 1 : i32
      %sub3A_615 = vector.broadcast %sub3A_614 : i32 to vector<16xi32>
      %sub3A_616 = arith.subi %add3A_613, %sub3A_615 : vector<16xi32>
      %jit3A_617 = arith.constant 0 : i32
      %jit3A_618 = arith.constant 16383 : i32
      %max3A_619 = vector.broadcast %jit3A_617 : i32 to vector<16xi32>
      %max3A_620 = arith.maxsi %max3A_619, %sub3A_616 : vector<16xi32>
      %min3A_621 = vector.broadcast %jit3A_618 : i32 to vector<16xi32>
      %min3A_622 = arith.minsi %min3A_621, %max3A_620 : vector<16xi32>
      %shift_right_arithmetic3A_623 = arith.constant 7 : i32
      %shift_right_arithmetic3A_624 = vector.broadcast %shift_right_arithmetic3A_623 : i32 to vector<16xi32>
      %shift_right_arithmetic3A_625 = arith.shrsi %min3A_622, %shift_right_arithmetic3A_624 : vector<16xi32>
      %and3A_626 = arith.constant 127 : i32
      %and3A_627 = vector.broadcast %and3A_626 : i32 to vector<16xi32>
      %and3A_628 = arith.andi %min3A_622, %and3A_627 : vector<16xi32>
      tpu.vector_store_idx %arg8[%shift_right_arithmetic3A_625, %and3A_628], %get3A_577 masked %and3A_603 : memref<128x128xi32, #tpu.memory_space<vmem>>[vector<16xi32>, vector<16xi32>], vector<16xi32>, vector<16xi1>
      tpu.vector_store_idx %arg9[%shift_right_arithmetic3A_625, %and3A_628], %add3A_581 masked %and3A_603 : memref<128x128xi32, #tpu.memory_space<vmem>>[vector<16xi32>, vector<16xi32>], vector<16xi32>, vector<16xi1>
      %add3A_629 = arith.addi %add3A_548, %reduce_sum3A_611 : i32
      %sub3A_630 = arith.constant 1 : i32
      %sub3A_631 = arith.subi %add3A_629, %sub3A_630 : i32
      %eq3A_632 = vector.broadcast %sub3A_631 : i32 to vector<16xi32>
      %eq3A_633 = arith.cmpi eq, %sub3A_616, %eq3A_632 : vector<16xi32>
      %and3A_634 = arith.andi %and3A_603, %eq3A_633 : vector<16xi1>
      %select_n3A_635 = arith.select %and3A_634, %get3A_577, %broadcast_in_dim3A_3 : vector<16xi1>, vector<16xi32>
      %reduce_sum3A_636 = arith.constant true
      %reduce_sum3A_637 = vector.broadcast %reduce_sum3A_636 : i1 to vector<16xi1>
      %reduce_sum3A_638 = tpu.scan <sum>, %select_n3A_635 masked %reduce_sum3A_637 : vector<16xi32>, vector<16xi1> -> vector<16xi32>
      %reduce_sum3A_639 = vector.extract %reduce_sum3A_638[15] : i32 from vector<16xi32>
      %select_n3A_640 = arith.select %and3A_634, %add3A_581, %broadcast_in_dim3A_3 : vector<16xi1>, vector<16xi32>
      %reduce_sum3A_641 = arith.constant true
      %reduce_sum3A_642 = vector.broadcast %reduce_sum3A_641 : i1 to vector<16xi1>
      %reduce_sum3A_643 = tpu.scan <sum>, %select_n3A_640 masked %reduce_sum3A_642 : vector<16xi32>, vector<16xi1> -> vector<16xi32>
      %reduce_sum3A_644 = vector.extract %reduce_sum3A_643[15] : i32 from vector<16xi32>
      %gt3A_645 = arith.constant 0 : i32
      %gt3A_646 = arith.cmpi sgt, %reduce_sum3A_611, %gt3A_645 : i32
      %select_n3A_647 = arith.select %gt3A_646, %reduce_sum3A_639, %select_n3A_564 : i32
      %select_n3A_648 = arith.select %gt3A_646, %reduce_sum3A_644, %select_n3A_565 : i32
      %sub3A_649 = arith.constant 312 : i32
      %sub3A_650 = arith.subi %scan3A_461, %sub3A_649 : i32
      %mul3A_651 = arith.constant 4 : i32
      %mul3A_652 = arith.muli %sub3A_650, %mul3A_651 : i32
      %add3A_653 = arith.constant 2 : i32
      %add3A_654 = arith.addi %mul3A_652, %add3A_653 : i32
      %min3A_655 = arith.constant 1023 : i32
      %min3A_656 = arith.minsi %add3A_654, %min3A_655 : i32
      %mul3A_657 = arith.constant 16 : i32
      %mul3A_658 = arith.muli %min3A_656, %mul3A_657 : i32
      %get3A_659 = arith.index_cast %mul3A_658 : i32 to index
      %get3A_660 = tpu.vector_load %arg6[%get3A_659] {strides = array<i32>} : memref<16384xi32, #tpu.memory_space<vmem>>, vector<16xi32>,
      %mul3A_661 = arith.constant 16 : i32
      %mul3A_662 = arith.muli %min3A_656, %mul3A_661 : i32
      %add3A_663 = vector.broadcast %mul3A_662 : i32 to vector<16xi32>
      %add3A_664 = arith.addi %add3A_663, %iota3A : vector<16xi32>
      %ge3A_665 = vector.broadcast %mul3A_2 : i32 to vector<16xi32>
      %ge3A_666 = arith.cmpi sge, %get3A_660, %ge3A_665 : vector<16xi32>
      %add3A_667 = arith.constant 31250 : i32
      %add3A_668 = arith.addi %mul3A_2, %add3A_667 : i32
      %lt3A_669 = vector.broadcast %add3A_668 : i32 to vector<16xi32>
      %lt3A_670 = arith.cmpi slt, %get3A_660, %lt3A_669 : vector<16xi32>
      %and3A_671 = arith.andi %ge3A_666, %lt3A_670 : vector<16xi1>
      %lt3A_672 = arith.constant 1024 : i32
      %lt3A_673 = arith.cmpi slt, %add3A_654, %lt3A_672 : i32
      %and3A_674 = vector.broadcast %lt3A_673 : i1 to vector<16xi1>
      %and3A_675 = arith.andi %and3A_671, %and3A_674 : vector<16xi1>
      %sub3A_676 = vector.broadcast %mul3A_2 : i32 to vector<16xi32>
      %sub3A_677 = arith.subi %get3A_660, %sub3A_676 : vector<16xi32>
      %jit3A_678 = arith.constant 0 : i32
      %jit3A_679 = arith.constant 31249 : i32
      %max3A_680 = vector.broadcast %jit3A_678 : i32 to vector<16xi32>
      %max3A_681 = arith.maxsi %max3A_680, %sub3A_677 : vector<16xi32>
      %min3A_682 = vector.broadcast %jit3A_679 : i32 to vector<16xi32>
      %min3A_683 = arith.minsi %min3A_682, %max3A_681 : vector<16xi32>
      %gather3A_684 = tpu.vector_load_idx %arg7[%min3A_683] masked %and3A_675 : memref<31250xi32, #tpu.memory_space<vmem>>[vector<16xi32>], vector<16xi32>, vector<16xi1>
      %eq3A_685 = arith.cmpi eq, %gather3A_684, %add3A_664 : vector<16xi32>
      %and3A_686 = arith.andi %and3A_675, %eq3A_685 : vector<16xi1>
      %convert_element_type3A_687 = arith.extui %and3A_686 : vector<16xi1> to vector<16xi32>
      %broadcast_in_dim3A_688 = arith.constant true
      %broadcast_in_dim3A_689 = vector.broadcast %broadcast_in_dim3A_688 : i1 to vector<16xi1>
      %masked_cumsum3A_690 = tpu.scan <sum>, %convert_element_type3A_687 masked %broadcast_in_dim3A_689 : vector<16xi32>, vector<16xi1> -> vector<16xi32>
      %reduce_sum3A_691 = arith.constant true
      %reduce_sum3A_692 = vector.broadcast %reduce_sum3A_691 : i1 to vector<16xi1>
      %reduce_sum3A_693 = tpu.scan <sum>, %convert_element_type3A_687 masked %reduce_sum3A_692 : vector<16xi32>, vector<16xi1> -> vector<16xi32>
      %reduce_sum3A_694 = vector.extract %reduce_sum3A_693[15] : i32 from vector<16xi32>
      %add3A_695 = vector.broadcast %add3A_629 : i32 to vector<16xi32>
      %add3A_696 = arith.addi %add3A_695, %masked_cumsum3A_690 : vector<16xi32>
      %sub3A_697 = arith.constant 1 : i32
      %sub3A_698 = vector.broadcast %sub3A_697 : i32 to vector<16xi32>
      %sub3A_699 = arith.subi %add3A_696, %sub3A_698 : vector<16xi32>
      %jit3A_700 = arith.constant 0 : i32
      %jit3A_701 = arith.constant 16383 : i32
      %max3A_702 = vector.broadcast %jit3A_700 : i32 to vector<16xi32>
      %max3A_703 = arith.maxsi %max3A_702, %sub3A_699 : vector<16xi32>
      %min3A_704 = vector.broadcast %jit3A_701 : i32 to vector<16xi32>
      %min3A_705 = arith.minsi %min3A_704, %max3A_703 : vector<16xi32>
      %shift_right_arithmetic3A_706 = arith.constant 7 : i32
      %shift_right_arithmetic3A_707 = vector.broadcast %shift_right_arithmetic3A_706 : i32 to vector<16xi32>
      %shift_right_arithmetic3A_708 = arith.shrsi %min3A_705, %shift_right_arithmetic3A_707 : vector<16xi32>
      %and3A_709 = arith.constant 127 : i32
      %and3A_710 = vector.broadcast %and3A_709 : i32 to vector<16xi32>
      %and3A_711 = arith.andi %min3A_705, %and3A_710 : vector<16xi32>
      tpu.vector_store_idx %arg8[%shift_right_arithmetic3A_708, %and3A_711], %get3A_660 masked %and3A_686 : memref<128x128xi32, #tpu.memory_space<vmem>>[vector<16xi32>, vector<16xi32>], vector<16xi32>, vector<16xi1>
      tpu.vector_store_idx %arg9[%shift_right_arithmetic3A_708, %and3A_711], %add3A_664 masked %and3A_686 : memref<128x128xi32, #tpu.memory_space<vmem>>[vector<16xi32>, vector<16xi32>], vector<16xi32>, vector<16xi1>
      %add3A_712 = arith.addi %add3A_629, %reduce_sum3A_694 : i32
      %sub3A_713 = arith.constant 1 : i32
      %sub3A_714 = arith.subi %add3A_712, %sub3A_713 : i32
      %eq3A_715 = vector.broadcast %sub3A_714 : i32 to vector<16xi32>
      %eq3A_716 = arith.cmpi eq, %sub3A_699, %eq3A_715 : vector<16xi32>
      %and3A_717 = arith.andi %and3A_686, %eq3A_716 : vector<16xi1>
      %select_n3A_718 = arith.select %and3A_717, %get3A_660, %broadcast_in_dim3A_3 : vector<16xi1>, vector<16xi32>
      %reduce_sum3A_719 = arith.constant true
      %reduce_sum3A_720 = vector.broadcast %reduce_sum3A_719 : i1 to vector<16xi1>
      %reduce_sum3A_721 = tpu.scan <sum>, %select_n3A_718 masked %reduce_sum3A_720 : vector<16xi32>, vector<16xi1> -> vector<16xi32>
      %reduce_sum3A_722 = vector.extract %reduce_sum3A_721[15] : i32 from vector<16xi32>
      %select_n3A_723 = arith.select %and3A_717, %add3A_664, %broadcast_in_dim3A_3 : vector<16xi1>, vector<16xi32>
      %reduce_sum3A_724 = arith.constant true
      %reduce_sum3A_725 = vector.broadcast %reduce_sum3A_724 : i1 to vector<16xi1>
      %reduce_sum3A_726 = tpu.scan <sum>, %select_n3A_723 masked %reduce_sum3A_725 : vector<16xi32>, vector<16xi1> -> vector<16xi32>
      %reduce_sum3A_727 = vector.extract %reduce_sum3A_726[15] : i32 from vector<16xi32>
      %gt3A_728 = arith.constant 0 : i32
      %gt3A_729 = arith.cmpi sgt, %reduce_sum3A_694, %gt3A_728 : i32
      %select_n3A_730 = arith.select %gt3A_729, %reduce_sum3A_722, %select_n3A_647 : i32
      %select_n3A_731 = arith.select %gt3A_729, %reduce_sum3A_727, %select_n3A_648 : i32
      %sub3A_732 = arith.constant 312 : i32
      %sub3A_733 = arith.subi %scan3A_461, %sub3A_732 : i32
      %mul3A_734 = arith.constant 4 : i32
      %mul3A_735 = arith.muli %sub3A_733, %mul3A_734 : i32
      %add3A_736 = arith.constant 3 : i32
      %add3A_737 = arith.addi %mul3A_735, %add3A_736 : i32
      %min3A_738 = arith.constant 1023 : i32
      %min3A_739 = arith.minsi %add3A_737, %min3A_738 : i32
      %mul3A_740 = arith.constant 16 : i32
      %mul3A_741 = arith.muli %min3A_739, %mul3A_740 : i32
      %get3A_742 = arith.index_cast %mul3A_741 : i32 to index
      %get3A_743 = tpu.vector_load %arg6[%get3A_742] {strides = array<i32>} : memref<16384xi32, #tpu.memory_space<vmem>>, vector<16xi32>,
      %mul3A_744 = arith.constant 16 : i32
      %mul3A_745 = arith.muli %min3A_739, %mul3A_744 : i32
      %add3A_746 = vector.broadcast %mul3A_745 : i32 to vector<16xi32>
      %add3A_747 = arith.addi %add3A_746, %iota3A : vector<16xi32>
      %ge3A_748 = vector.broadcast %mul3A_2 : i32 to vector<16xi32>
      %ge3A_749 = arith.cmpi sge, %get3A_743, %ge3A_748 : vector<16xi32>
      %add3A_750 = arith.constant 31250 : i32
      %add3A_751 = arith.addi %mul3A_2, %add3A_750 : i32
      %lt3A_752 = vector.broadcast %add3A_751 : i32 to vector<16xi32>
      %lt3A_753 = arith.cmpi slt, %get3A_743, %lt3A_752 : vector<16xi32>
      %and3A_754 = arith.andi %ge3A_749, %lt3A_753 : vector<16xi1>
      %lt3A_755 = arith.constant 1024 : i32
      %lt3A_756 = arith.cmpi slt, %add3A_737, %lt3A_755 : i32
      %and3A_757 = vector.broadcast %lt3A_756 : i1 to vector<16xi1>
      %and3A_758 = arith.andi %and3A_754, %and3A_757 : vector<16xi1>
      %sub3A_759 = vector.broadcast %mul3A_2 : i32 to vector<16xi32>
      %sub3A_760 = arith.subi %get3A_743, %sub3A_759 : vector<16xi32>
      %jit3A_761 = arith.constant 0 : i32
      %jit3A_762 = arith.constant 31249 : i32
      %max3A_763 = vector.broadcast %jit3A_761 : i32 to vector<16xi32>
      %max3A_764 = arith.maxsi %max3A_763, %sub3A_760 : vector<16xi32>
      %min3A_765 = vector.broadcast %jit3A_762 : i32 to vector<16xi32>
      %min3A_766 = arith.minsi %min3A_765, %max3A_764 : vector<16xi32>
      %gather3A_767 = tpu.vector_load_idx %arg7[%min3A_766] masked %and3A_758 : memref<31250xi32, #tpu.memory_space<vmem>>[vector<16xi32>], vector<16xi32>, vector<16xi1>
      %eq3A_768 = arith.cmpi eq, %gather3A_767, %add3A_747 : vector<16xi32>
      %and3A_769 = arith.andi %and3A_758, %eq3A_768 : vector<16xi1>
      %convert_element_type3A_770 = arith.extui %and3A_769 : vector<16xi1> to vector<16xi32>
      %broadcast_in_dim3A_771 = arith.constant true
      %broadcast_in_dim3A_772 = vector.broadcast %broadcast_in_dim3A_771 : i1 to vector<16xi1>
      %masked_cumsum3A_773 = tpu.scan <sum>, %convert_element_type3A_770 masked %broadcast_in_dim3A_772 : vector<16xi32>, vector<16xi1> -> vector<16xi32>
      %reduce_sum3A_774 = arith.constant true
      %reduce_sum3A_775 = vector.broadcast %reduce_sum3A_774 : i1 to vector<16xi1>
      %reduce_sum3A_776 = tpu.scan <sum>, %convert_element_type3A_770 masked %reduce_sum3A_775 : vector<16xi32>, vector<16xi1> -> vector<16xi32>
      %reduce_sum3A_777 = vector.extract %reduce_sum3A_776[15] : i32 from vector<16xi32>
      %add3A_778 = vector.broadcast %add3A_712 : i32 to vector<16xi32>
      %add3A_779 = arith.addi %add3A_778, %masked_cumsum3A_773 : vector<16xi32>
      %sub3A_780 = arith.constant 1 : i32
      %sub3A_781 = vector.broadcast %sub3A_780 : i32 to vector<16xi32>
      %sub3A_782 = arith.subi %add3A_779, %sub3A_781 : vector<16xi32>
      %jit3A_783 = arith.constant 0 : i32
      %jit3A_784 = arith.constant 16383 : i32
      %max3A_785 = vector.broadcast %jit3A_783 : i32 to vector<16xi32>
      %max3A_786 = arith.maxsi %max3A_785, %sub3A_782 : vector<16xi32>
      %min3A_787 = vector.broadcast %jit3A_784 : i32 to vector<16xi32>
      %min3A_788 = arith.minsi %min3A_787, %max3A_786 : vector<16xi32>
      %shift_right_arithmetic3A_789 = arith.constant 7 : i32
      %shift_right_arithmetic3A_790 = vector.broadcast %shift_right_arithmetic3A_789 : i32 to vector<16xi32>
      %shift_right_arithmetic3A_791 = arith.shrsi %min3A_788, %shift_right_arithmetic3A_790 : vector<16xi32>
      %and3A_792 = arith.constant 127 : i32
      %and3A_793 = vector.broadcast %and3A_792 : i32 to vector<16xi32>
      %and3A_794 = arith.andi %min3A_788, %and3A_793 : vector<16xi32>
      tpu.vector_store_idx %arg8[%shift_right_arithmetic3A_791, %and3A_794], %get3A_743 masked %and3A_769 : memref<128x128xi32, #tpu.memory_space<vmem>>[vector<16xi32>, vector<16xi32>], vector<16xi32>, vector<16xi1>
      tpu.vector_store_idx %arg9[%shift_right_arithmetic3A_791, %and3A_794], %add3A_747 masked %and3A_769 : memref<128x128xi32, #tpu.memory_space<vmem>>[vector<16xi32>, vector<16xi32>], vector<16xi32>, vector<16xi1>
      %add3A_795 = arith.addi %add3A_712, %reduce_sum3A_777 : i32
      %sub3A_796 = arith.constant 1 : i32
      %sub3A_797 = arith.subi %add3A_795, %sub3A_796 : i32
      %eq3A_798 = vector.broadcast %sub3A_797 : i32 to vector<16xi32>
      %eq3A_799 = arith.cmpi eq, %sub3A_782, %eq3A_798 : vector<16xi32>
      %and3A_800 = arith.andi %and3A_769, %eq3A_799 : vector<16xi1>
      %select_n3A_801 = arith.select %and3A_800, %get3A_743, %broadcast_in_dim3A_3 : vector<16xi1>, vector<16xi32>
      %reduce_sum3A_802 = arith.constant true
      %reduce_sum3A_803 = vector.broadcast %reduce_sum3A_802 : i1 to vector<16xi1>
      %reduce_sum3A_804 = tpu.scan <sum>, %select_n3A_801 masked %reduce_sum3A_803 : vector<16xi32>, vector<16xi1> -> vector<16xi32>
      %reduce_sum3A_805 = vector.extract %reduce_sum3A_804[15] : i32 from vector<16xi32>
      %select_n3A_806 = arith.select %and3A_800, %add3A_747, %broadcast_in_dim3A_3 : vector<16xi1>, vector<16xi32>
      %reduce_sum3A_807 = arith.constant true
      %reduce_sum3A_808 = vector.broadcast %reduce_sum3A_807 : i1 to vector<16xi1>
      %reduce_sum3A_809 = tpu.scan <sum>, %select_n3A_806 masked %reduce_sum3A_808 : vector<16xi32>, vector<16xi1> -> vector<16xi32>
      %reduce_sum3A_810 = vector.extract %reduce_sum3A_809[15] : i32 from vector<16xi32>
      %gt3A_811 = arith.constant 0 : i32
      %gt3A_812 = arith.cmpi sgt, %reduce_sum3A_777, %gt3A_811 : i32
      %select_n3A_813 = arith.select %gt3A_812, %reduce_sum3A_805, %select_n3A_730 : i32
      %select_n3A_814 = arith.select %gt3A_812, %reduce_sum3A_810, %select_n3A_731 : i32
      scf.yield %add3A_795, %select_n3A_813, %select_n3A_814 : i32, i32, i32
    }
    %scan3A_17 = arith.constant 313 : i32
    %add3A_18 = arith.constant 31050 : i32
    %add3A_19 = arith.addi %mul3A_2, %add3A_18 : i32
    %dma_wait3A = arith.constant 5 : i32
    %dma_wait3A_20 = arith.constant 5 : i32
    %dma_wait3A_21 = arith.constant 0 : i32
    %dma_wait3A_22 = arith.constant 0 : i32
    %dma_wait3A_23 = tpu.memref_slice %arg11[%dma_wait3A, %dma_wait3A_21, %dma_wait3A_22] : memref<8x50x64xf32, #tpu.memory_space<vmem>> -> memref<1x50x64xf32, #tpu.memory_space<vmem>>
    %dma_wait3A_24 = tpu.memref_squeeze %dma_wait3A_23 : memref<1x50x64xf32, #tpu.memory_space<vmem>> -> memref<50x64xf32, #tpu.memory_space<vmem>>
    %dma_wait3A_25 = arith.constant 0 : i32
    %dma_wait3A_26 = tpu.memref_slice %arg2[%add3A_19, %dma_wait3A_25] : memref<1000000x64xf32, #tpu.memory_space<hbm>> -> memref<50x64xf32, #tpu.memory_space<hbm>>
    %dma_wait3A_27 = tpu.memref_slice %arg13[%dma_wait3A_20] : memref<8x!tpu.dma_semaphore, #tpu.memory_space<semaphore_mem>> -> memref<1x!tpu.dma_semaphore, #tpu.memory_space<semaphore_mem>>
    %dma_wait3A_28 = tpu.memref_squeeze %dma_wait3A_27 : memref<1x!tpu.dma_semaphore, #tpu.memory_space<semaphore_mem>> -> memref<!tpu.dma_semaphore, #tpu.memory_space<semaphore_mem>>
    %dma_wait3A_29 = arith.constant 0 : i32
    %dma_wait3A_30 = arith.constant 0 : i32
    %dma_wait3A_31 = tpu.memref_slice %arg11[%dma_wait3A, %dma_wait3A_29, %dma_wait3A_30] : memref<8x50x64xf32, #tpu.memory_space<vmem>> -> memref<1x50x64xf32, #tpu.memory_space<vmem>>
    %dma_wait3A_32 = tpu.memref_squeeze %dma_wait3A_31 : memref<1x50x64xf32, #tpu.memory_space<vmem>> -> memref<50x64xf32, #tpu.memory_space<vmem>>
    %dma_wait3A_33 = arith.constant 0 : i32
    %dma_wait3A_34 = tpu.memref_slice %arg2[%add3A_19, %dma_wait3A_33] : memref<1000000x64xf32, #tpu.memory_space<hbm>> -> memref<50x64xf32, #tpu.memory_space<hbm>>
    tpu.wait_dma2 semaphore(%dma_wait3A_28 : memref<!tpu.dma_semaphore, #tpu.memory_space<semaphore_mem>>) src(%dma_wait3A_34 : memref<50x64xf32, #tpu.memory_space<hbm>>) dst(%dma_wait3A_32 : memref<50x64xf32, #tpu.memory_space<vmem>>)
    %add3A_35 = arith.constant 31050 : i32
    %add3A_36 = arith.addi %mul3A_2, %add3A_35 : i32
    %dma_start3A = arith.constant 5 : i32
    %dma_start3A_37 = arith.constant 5 : i32
    %dma_start3A_38 = arith.constant 0 : i32
    %dma_start3A_39 = arith.constant 0 : i32
    %dma_start3A_40 = tpu.memref_slice %arg11[%dma_start3A, %dma_start3A_38, %dma_start3A_39] : memref<8x50x64xf32, #tpu.memory_space<vmem>> -> memref<1x50x64xf32, #tpu.memory_space<vmem>>
    %dma_start3A_41 = tpu.memref_squeeze %dma_start3A_40 : memref<1x50x64xf32, #tpu.memory_space<vmem>> -> memref<50x64xf32, #tpu.memory_space<vmem>>
    %dma_start3A_42 = arith.constant 0 : i32
    %dma_start3A_43 = tpu.memref_slice %arg5[%add3A_36, %dma_start3A_42] : memref<1000000x64xf32, #tpu.memory_space<hbm>> -> memref<50x64xf32, #tpu.memory_space<hbm>>
    %dma_start3A_44 = tpu.memref_slice %arg14[%dma_start3A_37] : memref<8x!tpu.dma_semaphore, #tpu.memory_space<semaphore_mem>> -> memref<1x!tpu.dma_semaphore, #tpu.memory_space<semaphore_mem>>
    %dma_start3A_45 = tpu.memref_squeeze %dma_start3A_44 : memref<1x!tpu.dma_semaphore, #tpu.memory_space<semaphore_mem>> -> memref<!tpu.dma_semaphore, #tpu.memory_space<semaphore_mem>>
    %dma_start3A_46 = arith.constant 0 : i32
    %dma_start3A_47 = tpu.memref_slice %arg5[%add3A_36, %dma_start3A_46] : memref<1000000x64xf32, #tpu.memory_space<hbm>> -> memref<50x64xf32, #tpu.memory_space<hbm>>
    %dma_start3A_48 = arith.constant 0 : i32
    %dma_start3A_49 = arith.constant 0 : i32
    %dma_start3A_50 = tpu.memref_slice %arg11[%dma_start3A, %dma_start3A_48, %dma_start3A_49] : memref<8x50x64xf32, #tpu.memory_space<vmem>> -> memref<1x50x64xf32, #tpu.memory_space<vmem>>
    %dma_start3A_51 = tpu.memref_squeeze %dma_start3A_50 : memref<1x50x64xf32, #tpu.memory_space<vmem>> -> memref<50x64xf32, #tpu.memory_space<vmem>>
    tpu.enqueue_dma source(%dma_start3A_51 : memref<50x64xf32, #tpu.memory_space<vmem>>) target(%dma_start3A_47 : memref<50x64xf32, #tpu.memory_space<hbm>>) target_semaphore(%dma_start3A_45 : memref<!tpu.dma_semaphore, #tpu.memory_space<semaphore_mem>>)
    %add3A_52 = arith.constant 31100 : i32
    %add3A_53 = arith.addi %mul3A_2, %add3A_52 : i32
    %dma_wait3A_54 = arith.constant 6 : i32
    %dma_wait3A_55 = arith.constant 6 : i32
    %dma_wait3A_56 = arith.constant 0 : i32
    %dma_wait3A_57 = arith.constant 0 : i32
    %dma_wait3A_58 = tpu.memref_slice %arg11[%dma_wait3A_54, %dma_wait3A_56, %dma_wait3A_57] : memref<8x50x64xf32, #tpu.memory_space<vmem>> -> memref<1x50x64xf32, #tpu.memory_space<vmem>>
    %dma_wait3A_59 = tpu.memref_squeeze %dma_wait3A_58 : memref<1x50x64xf32, #tpu.memory_space<vmem>> -> memref<50x64xf32, #tpu.memory_space<vmem>>
    %dma_wait3A_60 = arith.constant 0 : i32
    %dma_wait3A_61 = tpu.memref_slice %arg2[%add3A_53, %dma_wait3A_60] : memref<1000000x64xf32, #tpu.memory_space<hbm>> -> memref<50x64xf32, #tpu.memory_space<hbm>>
    %dma_wait3A_62 = tpu.memref_slice %arg13[%dma_wait3A_55] : memref<8x!tpu.dma_semaphore, #tpu.memory_space<semaphore_mem>> -> memref<1x!tpu.dma_semaphore, #tpu.memory_space<semaphore_mem>>
    %dma_wait3A_63 = tpu.memref_squeeze %dma_wait3A_62 : memref<1x!tpu.dma_semaphore, #tpu.memory_space<semaphore_mem>> -> memref<!tpu.dma_semaphore, #tpu.memory_space<semaphore_mem>>
    %dma_wait3A_64 = arith.constant 0 : i32
    %dma_wait3A_65 = arith.constant 0 : i32
    %dma_wait3A_66 = tpu.memref_slice %arg11[%dma_wait3A_54, %dma_wait3A_64, %dma_wait3A_65] : memref<8x50x64xf32, #tpu.memory_space<vmem>> -> memref<1x50x64xf32, #tpu.memory_space<vmem>>
    %dma_wait3A_67 = tpu.memref_squeeze %dma_wait3A_66 : memref<1x50x64xf32, #tpu.memory_space<vmem>> -> memref<50x64xf32, #tpu.memory_space<vmem>>
    %dma_wait3A_68 = arith.constant 0 : i32
    %dma_wait3A_69 = tpu.memref_slice %arg2[%add3A_53, %dma_wait3A_68] : memref<1000000x64xf32, #tpu.memory_space<hbm>> -> memref<50x64xf32, #tpu.memory_space<hbm>>
    tpu.wait_dma2 semaphore(%dma_wait3A_63 : memref<!tpu.dma_semaphore, #tpu.memory_space<semaphore_mem>>) src(%dma_wait3A_69 : memref<50x64xf32, #tpu.memory_space<hbm>>) dst(%dma_wait3A_67 : memref<50x64xf32, #tpu.memory_space<vmem>>)
    %add3A_70 = arith.constant 31100 : i32
    %add3A_71 = arith.addi %mul3A_2, %add3A_70 : i32
    %dma_start3A_72 = arith.constant 6 : i32
    %dma_start3A_73 = arith.constant 6 : i32
    %dma_start3A_74 = arith.constant 0 : i32
    %dma_start3A_75 = arith.constant 0 : i32
    %dma_start3A_76 = tpu.memref_slice %arg11[%dma_start3A_72, %dma_start3A_74, %dma_start3A_75] : memref<8x50x64xf32, #tpu.memory_space<vmem>> -> memref<1x50x64xf32, #tpu.memory_space<vmem>>
    %dma_start3A_77 = tpu.memref_squeeze %dma_start3A_76 : memref<1x50x64xf32, #tpu.memory_space<vmem>> -> memref<50x64xf32, #tpu.memory_space<vmem>>
    %dma_start3A_78 = arith.constant 0 : i32
    %dma_start3A_79 = tpu.memref_slice %arg5[%add3A_71, %dma_start3A_78] : memref<1000000x64xf32, #tpu.memory_space<hbm>> -> memref<50x64xf32, #tpu.memory_space<hbm>>
    %dma_start3A_80 = tpu.memref_slice %arg14[%dma_start3A_73] : memref<8x!tpu.dma_semaphore, #tpu.memory_space<semaphore_mem>> -> memref<1x!tpu.dma_semaphore, #tpu.memory_space<semaphore_mem>>
    %dma_start3A_81 = tpu.memref_squeeze %dma_start3A_80 : memref<1x!tpu.dma_semaphore, #tpu.memory_space<semaphore_mem>> -> memref<!tpu.dma_semaphore, #tpu.memory_space<semaphore_mem>>
    %dma_start3A_82 = arith.constant 0 : i32
    %dma_start3A_83 = tpu.memref_slice %arg5[%add3A_71, %dma_start3A_82] : memref<1000000x64xf32, #tpu.memory_space<hbm>> -> memref<50x64xf32, #tpu.memory_space<hbm>>
    %dma_start3A_84 = arith.constant 0 : i32
    %dma_start3A_85 = arith.constant 0 : i32
    %dma_start3A_86 = tpu.memref_slice %arg11[%dma_start3A_72, %dma_start3A_84, %dma_start3A_85] : memref<8x50x64xf32, #tpu.memory_space<vmem>> -> memref<1x50x64xf32, #tpu.memory_space<vmem>>
    %dma_start3A_87 = tpu.memref_squeeze %dma_start3A_86 : memref<1x50x64xf32, #tpu.memory_space<vmem>> -> memref<50x64xf32, #tpu.memory_space<vmem>>
    tpu.enqueue_dma source(%dma_start3A_87 : memref<50x64xf32, #tpu.memory_space<vmem>>) target(%dma_start3A_83 : memref<50x64xf32, #tpu.memory_space<hbm>>) target_semaphore(%dma_start3A_81 : memref<!tpu.dma_semaphore, #tpu.memory_space<semaphore_mem>>)
    %add3A_88 = arith.constant 31150 : i32
    %add3A_89 = arith.addi %mul3A_2, %add3A_88 : i32
    %dma_wait3A_90 = arith.constant 7 : i32
    %dma_wait3A_91 = arith.constant 7 : i32
    %dma_wait3A_92 = arith.constant 0 : i32
    %dma_wait3A_93 = arith.constant 0 : i32
    %dma_wait3A_94 = tpu.memref_slice %arg11[%dma_wait3A_90, %dma_wait3A_92, %dma_wait3A_93] : memref<8x50x64xf32, #tpu.memory_space<vmem>> -> memref<1x50x64xf32, #tpu.memory_space<vmem>>
    %dma_wait3A_95 = tpu.memref_squeeze %dma_wait3A_94 : memref<1x50x64xf32, #tpu.memory_space<vmem>> -> memref<50x64xf32, #tpu.memory_space<vmem>>
    %dma_wait3A_96 = arith.constant 0 : i32
    %dma_wait3A_97 = tpu.memref_slice %arg2[%add3A_89, %dma_wait3A_96] : memref<1000000x64xf32, #tpu.memory_space<hbm>> -> memref<50x64xf32, #tpu.memory_space<hbm>>
    %dma_wait3A_98 = tpu.memref_slice %arg13[%dma_wait3A_91] : memref<8x!tpu.dma_semaphore, #tpu.memory_space<semaphore_mem>> -> memref<1x!tpu.dma_semaphore, #tpu.memory_space<semaphore_mem>>
    %dma_wait3A_99 = tpu.memref_squeeze %dma_wait3A_98 : memref<1x!tpu.dma_semaphore, #tpu.memory_space<semaphore_mem>> -> memref<!tpu.dma_semaphore, #tpu.memory_space<semaphore_mem>>
    %dma_wait3A_100 = arith.constant 0 : i32
    %dma_wait3A_101 = arith.constant 0 : i32
    %dma_wait3A_102 = tpu.memref_slice %arg11[%dma_wait3A_90, %dma_wait3A_100, %dma_wait3A_101] : memref<8x50x64xf32, #tpu.memory_space<vmem>> -> memref<1x50x64xf32, #tpu.memory_space<vmem>>
    %dma_wait3A_103 = tpu.memref_squeeze %dma_wait3A_102 : memref<1x50x64xf32, #tpu.memory_space<vmem>> -> memref<50x64xf32, #tpu.memory_space<vmem>>
    %dma_wait3A_104 = arith.constant 0 : i32
    %dma_wait3A_105 = tpu.memref_slice %arg2[%add3A_89, %dma_wait3A_104] : memref<1000000x64xf32, #tpu.memory_space<hbm>> -> memref<50x64xf32, #tpu.memory_space<hbm>>
    tpu.wait_dma2 semaphore(%dma_wait3A_99 : memref<!tpu.dma_semaphore, #tpu.memory_space<semaphore_mem>>) src(%dma_wait3A_105 : memref<50x64xf32, #tpu.memory_space<hbm>>) dst(%dma_wait3A_103 : memref<50x64xf32, #tpu.memory_space<vmem>>)
    %add3A_106 = arith.constant 31150 : i32
    %add3A_107 = arith.addi %mul3A_2, %add3A_106 : i32
    %dma_start3A_108 = arith.constant 7 : i32
    %dma_start3A_109 = arith.constant 7 : i32
    %dma_start3A_110 = arith.constant 0 : i32
    %dma_start3A_111 = arith.constant 0 : i32
    %dma_start3A_112 = tpu.memref_slice %arg11[%dma_start3A_108, %dma_start3A_110, %dma_start3A_111] : memref<8x50x64xf32, #tpu.memory_space<vmem>> -> memref<1x50x64xf32, #tpu.memory_space<vmem>>
    %dma_start3A_113 = tpu.memref_squeeze %dma_start3A_112 : memref<1x50x64xf32, #tpu.memory_space<vmem>> -> memref<50x64xf32, #tpu.memory_space<vmem>>
    %dma_start3A_114 = arith.constant 0 : i32
    %dma_start3A_115 = tpu.memref_slice %arg5[%add3A_107, %dma_start3A_114] : memref<1000000x64xf32, #tpu.memory_space<hbm>> -> memref<50x64xf32, #tpu.memory_space<hbm>>
    %dma_start3A_116 = tpu.memref_slice %arg14[%dma_start3A_109] : memref<8x!tpu.dma_semaphore, #tpu.memory_space<semaphore_mem>> -> memref<1x!tpu.dma_semaphore, #tpu.memory_space<semaphore_mem>>
    %dma_start3A_117 = tpu.memref_squeeze %dma_start3A_116 : memref<1x!tpu.dma_semaphore, #tpu.memory_space<semaphore_mem>> -> memref<!tpu.dma_semaphore, #tpu.memory_space<semaphore_mem>>
    %dma_start3A_118 = arith.constant 0 : i32
    %dma_start3A_119 = tpu.memref_slice %arg5[%add3A_107, %dma_start3A_118] : memref<1000000x64xf32, #tpu.memory_space<hbm>> -> memref<50x64xf32, #tpu.memory_space<hbm>>
    %dma_start3A_120 = arith.constant 0 : i32
    %dma_start3A_121 = arith.constant 0 : i32
    %dma_start3A_122 = tpu.memref_slice %arg11[%dma_start3A_108, %dma_start3A_120, %dma_start3A_121] : memref<8x50x64xf32, #tpu.memory_space<vmem>> -> memref<1x50x64xf32, #tpu.memory_space<vmem>>
    %dma_start3A_123 = tpu.memref_squeeze %dma_start3A_122 : memref<1x50x64xf32, #tpu.memory_space<vmem>> -> memref<50x64xf32, #tpu.memory_space<vmem>>
    tpu.enqueue_dma source(%dma_start3A_123 : memref<50x64xf32, #tpu.memory_space<vmem>>) target(%dma_start3A_119 : memref<50x64xf32, #tpu.memory_space<hbm>>) target_semaphore(%dma_start3A_117 : memref<!tpu.dma_semaphore, #tpu.memory_space<semaphore_mem>>)
    %add3A_124 = arith.constant 31200 : i32
    %add3A_125 = arith.addi %mul3A_2, %add3A_124 : i32
    %dma_wait3A_126 = arith.constant 0 : i32
    %dma_wait3A_127 = arith.constant 0 : i32
    %dma_wait3A_128 = arith.constant 0 : i32
    %dma_wait3A_129 = arith.constant 0 : i32
    %dma_wait3A_130 = tpu.memref_slice %arg11[%dma_wait3A_126, %dma_wait3A_128, %dma_wait3A_129] : memref<8x50x64xf32, #tpu.memory_space<vmem>> -> memref<1x50x64xf32, #tpu.memory_space<vmem>>
    %dma_wait3A_131 = tpu.memref_squeeze %dma_wait3A_130 : memref<1x50x64xf32, #tpu.memory_space<vmem>> -> memref<50x64xf32, #tpu.memory_space<vmem>>
    %dma_wait3A_132 = arith.constant 0 : i32
    %dma_wait3A_133 = tpu.memref_slice %arg2[%add3A_125, %dma_wait3A_132] : memref<1000000x64xf32, #tpu.memory_space<hbm>> -> memref<50x64xf32, #tpu.memory_space<hbm>>
    %dma_wait3A_134 = tpu.memref_slice %arg13[%dma_wait3A_127] : memref<8x!tpu.dma_semaphore, #tpu.memory_space<semaphore_mem>> -> memref<1x!tpu.dma_semaphore, #tpu.memory_space<semaphore_mem>>
    %dma_wait3A_135 = tpu.memref_squeeze %dma_wait3A_134 : memref<1x!tpu.dma_semaphore, #tpu.memory_space<semaphore_mem>> -> memref<!tpu.dma_semaphore, #tpu.memory_space<semaphore_mem>>
    %dma_wait3A_136 = arith.constant 0 : i32
    %dma_wait3A_137 = arith.constant 0 : i32
    %dma_wait3A_138 = tpu.memref_slice %arg11[%dma_wait3A_126, %dma_wait3A_136, %dma_wait3A_137] : memref<8x50x64xf32, #tpu.memory_space<vmem>> -> memref<1x50x64xf32, #tpu.memory_space<vmem>>
    %dma_wait3A_139 = tpu.memref_squeeze %dma_wait3A_138 : memref<1x50x64xf32, #tpu.memory_space<vmem>> -> memref<50x64xf32, #tpu.memory_space<vmem>>
    %dma_wait3A_140 = arith.constant 0 : i32
    %dma_wait3A_141 = tpu.memref_slice %arg2[%add3A_125, %dma_wait3A_140] : memref<1000000x64xf32, #tpu.memory_space<hbm>> -> memref<50x64xf32, #tpu.memory_space<hbm>>
    tpu.wait_dma2 semaphore(%dma_wait3A_135 : memref<!tpu.dma_semaphore, #tpu.memory_space<semaphore_mem>>) src(%dma_wait3A_141 : memref<50x64xf32, #tpu.memory_space<hbm>>) dst(%dma_wait3A_139 : memref<50x64xf32, #tpu.memory_space<vmem>>)
    %add3A_142 = arith.constant 31200 : i32
    %add3A_143 = arith.addi %mul3A_2, %add3A_142 : i32
    %dma_start3A_144 = arith.constant 0 : i32
    %dma_start3A_145 = arith.constant 0 : i32
    %dma_start3A_146 = arith.constant 0 : i32
    %dma_start3A_147 = arith.constant 0 : i32
    %dma_start3A_148 = tpu.memref_slice %arg11[%dma_start3A_144, %dma_start3A_146, %dma_start3A_147] : memref<8x50x64xf32, #tpu.memory_space<vmem>> -> memref<1x50x64xf32, #tpu.memory_space<vmem>>
    %dma_start3A_149 = tpu.memref_squeeze %dma_start3A_148 : memref<1x50x64xf32, #tpu.memory_space<vmem>> -> memref<50x64xf32, #tpu.memory_space<vmem>>
    %dma_start3A_150 = arith.constant 0 : i32
    %dma_start3A_151 = tpu.memref_slice %arg5[%add3A_143, %dma_start3A_150] : memref<1000000x64xf32, #tpu.memory_space<hbm>> -> memref<50x64xf32, #tpu.memory_space<hbm>>
    %dma_start3A_152 = tpu.memref_slice %arg14[%dma_start3A_145] : memref<8x!tpu.dma_semaphore, #tpu.memory_space<semaphore_mem>> -> memref<1x!tpu.dma_semaphore, #tpu.memory_space<semaphore_mem>>
    %dma_start3A_153 = tpu.memref_squeeze %dma_start3A_152 : memref<1x!tpu.dma_semaphore, #tpu.memory_space<semaphore_mem>> -> memref<!tpu.dma_semaphore, #tpu.memory_space<semaphore_mem>>
    %dma_start3A_154 = arith.constant 0 : i32
    %dma_start3A_155 = tpu.memref_slice %arg5[%add3A_143, %dma_start3A_154] : memref<1000000x64xf32, #tpu.memory_space<hbm>> -> memref<50x64xf32, #tpu.memory_space<hbm>>
    %dma_start3A_156 = arith.constant 0 : i32
    %dma_start3A_157 = arith.constant 0 : i32
    %dma_start3A_158 = tpu.memref_slice %arg11[%dma_start3A_144, %dma_start3A_156, %dma_start3A_157] : memref<8x50x64xf32, #tpu.memory_space<vmem>> -> memref<1x50x64xf32, #tpu.memory_space<vmem>>
    %dma_start3A_159 = tpu.memref_squeeze %dma_start3A_158 : memref<1x50x64xf32, #tpu.memory_space<vmem>> -> memref<50x64xf32, #tpu.memory_space<vmem>>
    tpu.enqueue_dma source(%dma_start3A_159 : memref<50x64xf32, #tpu.memory_space<vmem>>) target(%dma_start3A_155 : memref<50x64xf32, #tpu.memory_space<hbm>>) target_semaphore(%dma_start3A_153 : memref<!tpu.dma_semaphore, #tpu.memory_space<semaphore_mem>>)
    %add3A_160 = arith.constant 30850 : i32
    %add3A_161 = arith.addi %mul3A_2, %add3A_160 : i32
    %dma_wait3A_162 = arith.constant 1 : i32
    %dma_wait3A_163 = arith.constant 1 : i32
    %dma_wait3A_164 = arith.constant 0 : i32
    %dma_wait3A_165 = arith.constant 0 : i32
    %dma_wait3A_166 = tpu.memref_slice %arg11[%dma_wait3A_162, %dma_wait3A_164, %dma_wait3A_165] : memref<8x50x64xf32, #tpu.memory_space<vmem>> -> memref<1x50x64xf32, #tpu.memory_space<vmem>>
    %dma_wait3A_167 = tpu.memref_squeeze %dma_wait3A_166 : memref<1x50x64xf32, #tpu.memory_space<vmem>> -> memref<50x64xf32, #tpu.memory_space<vmem>>
    %dma_wait3A_168 = arith.constant 0 : i32
    %dma_wait3A_169 = tpu.memref_slice %arg5[%add3A_161, %dma_wait3A_168] : memref<1000000x64xf32, #tpu.memory_space<hbm>> -> memref<50x64xf32, #tpu.memory_space<hbm>>
    %dma_wait3A_170 = tpu.memref_slice %arg14[%dma_wait3A_163] : memref<8x!tpu.dma_semaphore, #tpu.memory_space<semaphore_mem>> -> memref<1x!tpu.dma_semaphore, #tpu.memory_space<semaphore_mem>>
    %dma_wait3A_171 = tpu.memref_squeeze %dma_wait3A_170 : memref<1x!tpu.dma_semaphore, #tpu.memory_space<semaphore_mem>> -> memref<!tpu.dma_semaphore, #tpu.memory_space<semaphore_mem>>
    %dma_wait3A_172 = arith.constant 0 : i32
    %dma_wait3A_173 = tpu.memref_slice %arg5[%add3A_161, %dma_wait3A_172] : memref<1000000x64xf32, #tpu.memory_space<hbm>> -> memref<50x64xf32, #tpu.memory_space<hbm>>
    %dma_wait3A_174 = arith.constant 0 : i32
    %dma_wait3A_175 = arith.constant 0 : i32
    %dma_wait3A_176 = tpu.memref_slice %arg11[%dma_wait3A_162, %dma_wait3A_174, %dma_wait3A_175] : memref<8x50x64xf32, #tpu.memory_space<vmem>> -> memref<1x50x64xf32, #tpu.memory_space<vmem>>
    %dma_wait3A_177 = tpu.memref_squeeze %dma_wait3A_176 : memref<1x50x64xf32, #tpu.memory_space<vmem>> -> memref<50x64xf32, #tpu.memory_space<vmem>>
    tpu.wait_dma2 semaphore(%dma_wait3A_171 : memref<!tpu.dma_semaphore, #tpu.memory_space<semaphore_mem>>) src(%dma_wait3A_177 : memref<50x64xf32, #tpu.memory_space<vmem>>) dst(%dma_wait3A_173 : memref<50x64xf32, #tpu.memory_space<hbm>>)
    %add3A_178 = arith.constant 30900 : i32
    %add3A_179 = arith.addi %mul3A_2, %add3A_178 : i32
    %dma_wait3A_180 = arith.constant 2 : i32
    %dma_wait3A_181 = arith.constant 2 : i32
    %dma_wait3A_182 = arith.constant 0 : i32
    %dma_wait3A_183 = arith.constant 0 : i32
    %dma_wait3A_184 = tpu.memref_slice %arg11[%dma_wait3A_180, %dma_wait3A_182, %dma_wait3A_183] : memref<8x50x64xf32, #tpu.memory_space<vmem>> -> memref<1x50x64xf32, #tpu.memory_space<vmem>>
    %dma_wait3A_185 = tpu.memref_squeeze %dma_wait3A_184 : memref<1x50x64xf32, #tpu.memory_space<vmem>> -> memref<50x64xf32, #tpu.memory_space<vmem>>
    %dma_wait3A_186 = arith.constant 0 : i32
    %dma_wait3A_187 = tpu.memref_slice %arg5[%add3A_179, %dma_wait3A_186] : memref<1000000x64xf32, #tpu.memory_space<hbm>> -> memref<50x64xf32, #tpu.memory_space<hbm>>
    %dma_wait3A_188 = tpu.memref_slice %arg14[%dma_wait3A_181] : memref<8x!tpu.dma_semaphore, #tpu.memory_space<semaphore_mem>> -> memref<1x!tpu.dma_semaphore, #tpu.memory_space<semaphore_mem>>
    %dma_wait3A_189 = tpu.memref_squeeze %dma_wait3A_188 : memref<1x!tpu.dma_semaphore, #tpu.memory_space<semaphore_mem>> -> memref<!tpu.dma_semaphore, #tpu.memory_space<semaphore_mem>>
    %dma_wait3A_190 = arith.constant 0 : i32
    %dma_wait3A_191 = tpu.memref_slice %arg5[%add3A_179, %dma_wait3A_190] : memref<1000000x64xf32, #tpu.memory_space<hbm>> -> memref<50x64xf32, #tpu.memory_space<hbm>>
    %dma_wait3A_192 = arith.constant 0 : i32
    %dma_wait3A_193 = arith.constant 0 : i32
    %dma_wait3A_194 = tpu.memref_slice %arg11[%dma_wait3A_180, %dma_wait3A_192, %dma_wait3A_193] : memref<8x50x64xf32, #tpu.memory_space<vmem>> -> memref<1x50x64xf32, #tpu.memory_space<vmem>>
    %dma_wait3A_195 = tpu.memref_squeeze %dma_wait3A_194 : memref<1x50x64xf32, #tpu.memory_space<vmem>> -> memref<50x64xf32, #tpu.memory_space<vmem>>
    tpu.wait_dma2 semaphore(%dma_wait3A_189 : memref<!tpu.dma_semaphore, #tpu.memory_space<semaphore_mem>>) src(%dma_wait3A_195 : memref<50x64xf32, #tpu.memory_space<vmem>>) dst(%dma_wait3A_191 : memref<50x64xf32, #tpu.memory_space<hbm>>)
    %add3A_196 = arith.constant 30950 : i32
    %add3A_197 = arith.addi %mul3A_2, %add3A_196 : i32
    %dma_wait3A_198 = arith.constant 3 : i32
    %dma_wait3A_199 = arith.constant 3 : i32
    %dma_wait3A_200 = arith.constant 0 : i32
    %dma_wait3A_201 = arith.constant 0 : i32
    %dma_wait3A_202 = tpu.memref_slice %arg11[%dma_wait3A_198, %dma_wait3A_200, %dma_wait3A_201] : memref<8x50x64xf32, #tpu.memory_space<vmem>> -> memref<1x50x64xf32, #tpu.memory_space<vmem>>
    %dma_wait3A_203 = tpu.memref_squeeze %dma_wait3A_202 : memref<1x50x64xf32, #tpu.memory_space<vmem>> -> memref<50x64xf32, #tpu.memory_space<vmem>>
    %dma_wait3A_204 = arith.constant 0 : i32
    %dma_wait3A_205 = tpu.memref_slice %arg5[%add3A_197, %dma_wait3A_204] : memref<1000000x64xf32, #tpu.memory_space<hbm>> -> memref<50x64xf32, #tpu.memory_space<hbm>>
    %dma_wait3A_206 = tpu.memref_slice %arg14[%dma_wait3A_199] : memref<8x!tpu.dma_semaphore, #tpu.memory_space<semaphore_mem>> -> memref<1x!tpu.dma_semaphore, #tpu.memory_space<semaphore_mem>>
    %dma_wait3A_207 = tpu.memref_squeeze %dma_wait3A_206 : memref<1x!tpu.dma_semaphore, #tpu.memory_space<semaphore_mem>> -> memref<!tpu.dma_semaphore, #tpu.memory_space<semaphore_mem>>
    %dma_wait3A_208 = arith.constant 0 : i32
    %dma_wait3A_209 = tpu.memref_slice %arg5[%add3A_197, %dma_wait3A_208] : memref<1000000x64xf32, #tpu.memory_space<hbm>> -> memref<50x64xf32, #tpu.memory_space<hbm>>
    %dma_wait3A_210 = arith.constant 0 : i32
    %dma_wait3A_211 = arith.constant 0 : i32
    %dma_wait3A_212 = tpu.memref_slice %arg11[%dma_wait3A_198, %dma_wait3A_210, %dma_wait3A_211] : memref<8x50x64xf32, #tpu.memory_space<vmem>> -> memref<1x50x64xf32, #tpu.memory_space<vmem>>
    %dma_wait3A_213 = tpu.memref_squeeze %dma_wait3A_212 : memref<1x50x64xf32, #tpu.memory_space<vmem>> -> memref<50x64xf32, #tpu.memory_space<vmem>>
    tpu.wait_dma2 semaphore(%dma_wait3A_207 : memref<!tpu.dma_semaphore, #tpu.memory_space<semaphore_mem>>) src(%dma_wait3A_213 : memref<50x64xf32, #tpu.memory_space<vmem>>) dst(%dma_wait3A_209 : memref<50x64xf32, #tpu.memory_space<hbm>>)
    %add3A_214 = arith.constant 31000 : i32
    %add3A_215 = arith.addi %mul3A_2, %add3A_214 : i32
    %dma_wait3A_216 = arith.constant 4 : i32
    %dma_wait3A_217 = arith.constant 4 : i32
    %dma_wait3A_218 = arith.constant 0 : i32
    %dma_wait3A_219 = arith.constant 0 : i32
    %dma_wait3A_220 = tpu.memref_slice %arg11[%dma_wait3A_216, %dma_wait3A_218, %dma_wait3A_219] : memref<8x50x64xf32, #tpu.memory_space<vmem>> -> memref<1x50x64xf32, #tpu.memory_space<vmem>>
    %dma_wait3A_221 = tpu.memref_squeeze %dma_wait3A_220 : memref<1x50x64xf32, #tpu.memory_space<vmem>> -> memref<50x64xf32, #tpu.memory_space<vmem>>
    %dma_wait3A_222 = arith.constant 0 : i32
    %dma_wait3A_223 = tpu.memref_slice %arg5[%add3A_215, %dma_wait3A_222] : memref<1000000x64xf32, #tpu.memory_space<hbm>> -> memref<50x64xf32, #tpu.memory_space<hbm>>
    %dma_wait3A_224 = tpu.memref_slice %arg14[%dma_wait3A_217] : memref<8x!tpu.dma_semaphore, #tpu.memory_space<semaphore_mem>> -> memref<1x!tpu.dma_semaphore, #tpu.memory_space<semaphore_mem>>
    %dma_wait3A_225 = tpu.memref_squeeze %dma_wait3A_224 : memref<1x!tpu.dma_semaphore, #tpu.memory_space<semaphore_mem>> -> memref<!tpu.dma_semaphore, #tpu.memory_space<semaphore_mem>>
    %dma_wait3A_226 = arith.constant 0 : i32
    %dma_wait3A_227 = tpu.memref_slice %arg5[%add3A_215, %dma_wait3A_226] : memref<1000000x64xf32, #tpu.memory_space<hbm>> -> memref<50x64xf32, #tpu.memory_space<hbm>>
    %dma_wait3A_228 = arith.constant 0 : i32
    %dma_wait3A_229 = arith.constant 0 : i32
    %dma_wait3A_230 = tpu.memref_slice %arg11[%dma_wait3A_216, %dma_wait3A_228, %dma_wait3A_229] : memref<8x50x64xf32, #tpu.memory_space<vmem>> -> memref<1x50x64xf32, #tpu.memory_space<vmem>>
    %dma_wait3A_231 = tpu.memref_squeeze %dma_wait3A_230 : memref<1x50x64xf32, #tpu.memory_space<vmem>> -> memref<50x64xf32, #tpu.memory_space<vmem>>
    tpu.wait_dma2 semaphore(%dma_wait3A_225 : memref<!tpu.dma_semaphore, #tpu.memory_space<semaphore_mem>>) src(%dma_wait3A_231 : memref<50x64xf32, #tpu.memory_space<vmem>>) dst(%dma_wait3A_227 : memref<50x64xf32, #tpu.memory_space<hbm>>)
    %add3A_232 = arith.constant 31050 : i32
    %add3A_233 = arith.addi %mul3A_2, %add3A_232 : i32
    %dma_wait3A_234 = arith.constant 5 : i32
    %dma_wait3A_235 = arith.constant 5 : i32
    %dma_wait3A_236 = arith.constant 0 : i32
    %dma_wait3A_237 = arith.constant 0 : i32
    %dma_wait3A_238 = tpu.memref_slice %arg11[%dma_wait3A_234, %dma_wait3A_236, %dma_wait3A_237] : memref<8x50x64xf32, #tpu.memory_space<vmem>> -> memref<1x50x64xf32, #tpu.memory_space<vmem>>
    %dma_wait3A_239 = tpu.memref_squeeze %dma_wait3A_238 : memref<1x50x64xf32, #tpu.memory_space<vmem>> -> memref<50x64xf32, #tpu.memory_space<vmem>>
    %dma_wait3A_240 = arith.constant 0 : i32
    %dma_wait3A_241 = tpu.memref_slice %arg5[%add3A_233, %dma_wait3A_240] : memref<1000000x64xf32, #tpu.memory_space<hbm>> -> memref<50x64xf32, #tpu.memory_space<hbm>>
    %dma_wait3A_242 = tpu.memref_slice %arg14[%dma_wait3A_235] : memref<8x!tpu.dma_semaphore, #tpu.memory_space<semaphore_mem>> -> memref<1x!tpu.dma_semaphore, #tpu.memory_space<semaphore_mem>>
    %dma_wait3A_243 = tpu.memref_squeeze %dma_wait3A_242 : memref<1x!tpu.dma_semaphore, #tpu.memory_space<semaphore_mem>> -> memref<!tpu.dma_semaphore, #tpu.memory_space<semaphore_mem>>
    %dma_wait3A_244 = arith.constant 0 : i32
    %dma_wait3A_245 = tpu.memref_slice %arg5[%add3A_233, %dma_wait3A_244] : memref<1000000x64xf32, #tpu.memory_space<hbm>> -> memref<50x64xf32, #tpu.memory_space<hbm>>
    %dma_wait3A_246 = arith.constant 0 : i32
    %dma_wait3A_247 = arith.constant 0 : i32
    %dma_wait3A_248 = tpu.memref_slice %arg11[%dma_wait3A_234, %dma_wait3A_246, %dma_wait3A_247] : memref<8x50x64xf32, #tpu.memory_space<vmem>> -> memref<1x50x64xf32, #tpu.memory_space<vmem>>
    %dma_wait3A_249 = tpu.memref_squeeze %dma_wait3A_248 : memref<1x50x64xf32, #tpu.memory_space<vmem>> -> memref<50x64xf32, #tpu.memory_space<vmem>>
    tpu.wait_dma2 semaphore(%dma_wait3A_243 : memref<!tpu.dma_semaphore, #tpu.memory_space<semaphore_mem>>) src(%dma_wait3A_249 : memref<50x64xf32, #tpu.memory_space<vmem>>) dst(%dma_wait3A_245 : memref<50x64xf32, #tpu.memory_space<hbm>>)
    %add3A_250 = arith.constant 31100 : i32
    %add3A_251 = arith.addi %mul3A_2, %add3A_250 : i32
    %dma_wait3A_252 = arith.constant 6 : i32
    %dma_wait3A_253 = arith.constant 6 : i32
    %dma_wait3A_254 = arith.constant 0 : i32
    %dma_wait3A_255 = arith.constant 0 : i32
    %dma_wait3A_256 = tpu.memref_slice %arg11[%dma_wait3A_252, %dma_wait3A_254, %dma_wait3A_255] : memref<8x50x64xf32, #tpu.memory_space<vmem>> -> memref<1x50x64xf32, #tpu.memory_space<vmem>>
    %dma_wait3A_257 = tpu.memref_squeeze %dma_wait3A_256 : memref<1x50x64xf32, #tpu.memory_space<vmem>> -> memref<50x64xf32, #tpu.memory_space<vmem>>
    %dma_wait3A_258 = arith.constant 0 : i32
    %dma_wait3A_259 = tpu.memref_slice %arg5[%add3A_251, %dma_wait3A_258] : memref<1000000x64xf32, #tpu.memory_space<hbm>> -> memref<50x64xf32, #tpu.memory_space<hbm>>
    %dma_wait3A_260 = tpu.memref_slice %arg14[%dma_wait3A_253] : memref<8x!tpu.dma_semaphore, #tpu.memory_space<semaphore_mem>> -> memref<1x!tpu.dma_semaphore, #tpu.memory_space<semaphore_mem>>
    %dma_wait3A_261 = tpu.memref_squeeze %dma_wait3A_260 : memref<1x!tpu.dma_semaphore, #tpu.memory_space<semaphore_mem>> -> memref<!tpu.dma_semaphore, #tpu.memory_space<semaphore_mem>>
    %dma_wait3A_262 = arith.constant 0 : i32
    %dma_wait3A_263 = tpu.memref_slice %arg5[%add3A_251, %dma_wait3A_262] : memref<1000000x64xf32, #tpu.memory_space<hbm>> -> memref<50x64xf32, #tpu.memory_space<hbm>>
    %dma_wait3A_264 = arith.constant 0 : i32
    %dma_wait3A_265 = arith.constant 0 : i32
    %dma_wait3A_266 = tpu.memref_slice %arg11[%dma_wait3A_252, %dma_wait3A_264, %dma_wait3A_265] : memref<8x50x64xf32, #tpu.memory_space<vmem>> -> memref<1x50x64xf32, #tpu.memory_space<vmem>>
    %dma_wait3A_267 = tpu.memref_squeeze %dma_wait3A_266 : memref<1x50x64xf32, #tpu.memory_space<vmem>> -> memref<50x64xf32, #tpu.memory_space<vmem>>
    tpu.wait_dma2 semaphore(%dma_wait3A_261 : memref<!tpu.dma_semaphore, #tpu.memory_space<semaphore_mem>>) src(%dma_wait3A_267 : memref<50x64xf32, #tpu.memory_space<vmem>>) dst(%dma_wait3A_263 : memref<50x64xf32, #tpu.memory_space<hbm>>)
    %add3A_268 = arith.constant 31150 : i32
    %add3A_269 = arith.addi %mul3A_2, %add3A_268 : i32
    %dma_wait3A_270 = arith.constant 7 : i32
    %dma_wait3A_271 = arith.constant 7 : i32
    %dma_wait3A_272 = arith.constant 0 : i32
    %dma_wait3A_273 = arith.constant 0 : i32
    %dma_wait3A_274 = tpu.memref_slice %arg11[%dma_wait3A_270, %dma_wait3A_272, %dma_wait3A_273] : memref<8x50x64xf32, #tpu.memory_space<vmem>> -> memref<1x50x64xf32, #tpu.memory_space<vmem>>
    %dma_wait3A_275 = tpu.memref_squeeze %dma_wait3A_274 : memref<1x50x64xf32, #tpu.memory_space<vmem>> -> memref<50x64xf32, #tpu.memory_space<vmem>>
    %dma_wait3A_276 = arith.constant 0 : i32
    %dma_wait3A_277 = tpu.memref_slice %arg5[%add3A_269, %dma_wait3A_276] : memref<1000000x64xf32, #tpu.memory_space<hbm>> -> memref<50x64xf32, #tpu.memory_space<hbm>>
    %dma_wait3A_278 = tpu.memref_slice %arg14[%dma_wait3A_271] : memref<8x!tpu.dma_semaphore, #tpu.memory_space<semaphore_mem>> -> memref<1x!tpu.dma_semaphore, #tpu.memory_space<semaphore_mem>>
    %dma_wait3A_279 = tpu.memref_squeeze %dma_wait3A_278 : memref<1x!tpu.dma_semaphore, #tpu.memory_space<semaphore_mem>> -> memref<!tpu.dma_semaphore, #tpu.memory_space<semaphore_mem>>
    %dma_wait3A_280 = arith.constant 0 : i32
    %dma_wait3A_281 = tpu.memref_slice %arg5[%add3A_269, %dma_wait3A_280] : memref<1000000x64xf32, #tpu.memory_space<hbm>> -> memref<50x64xf32, #tpu.memory_space<hbm>>
    %dma_wait3A_282 = arith.constant 0 : i32
    %dma_wait3A_283 = arith.constant 0 : i32
    %dma_wait3A_284 = tpu.memref_slice %arg11[%dma_wait3A_270, %dma_wait3A_282, %dma_wait3A_283] : memref<8x50x64xf32, #tpu.memory_space<vmem>> -> memref<1x50x64xf32, #tpu.memory_space<vmem>>
    %dma_wait3A_285 = tpu.memref_squeeze %dma_wait3A_284 : memref<1x50x64xf32, #tpu.memory_space<vmem>> -> memref<50x64xf32, #tpu.memory_space<vmem>>
    tpu.wait_dma2 semaphore(%dma_wait3A_279 : memref<!tpu.dma_semaphore, #tpu.memory_space<semaphore_mem>>) src(%dma_wait3A_285 : memref<50x64xf32, #tpu.memory_space<vmem>>) dst(%dma_wait3A_281 : memref<50x64xf32, #tpu.memory_space<hbm>>)
    %add3A_286 = arith.constant 31200 : i32
    %add3A_287 = arith.addi %mul3A_2, %add3A_286 : i32
    %dma_wait3A_288 = arith.constant 0 : i32
    %dma_wait3A_289 = arith.constant 0 : i32
    %dma_wait3A_290 = arith.constant 0 : i32
    %dma_wait3A_291 = arith.constant 0 : i32
    %dma_wait3A_292 = tpu.memref_slice %arg11[%dma_wait3A_288, %dma_wait3A_290, %dma_wait3A_291] : memref<8x50x64xf32, #tpu.memory_space<vmem>> -> memref<1x50x64xf32, #tpu.memory_space<vmem>>
    %dma_wait3A_293 = tpu.memref_squeeze %dma_wait3A_292 : memref<1x50x64xf32, #tpu.memory_space<vmem>> -> memref<50x64xf32, #tpu.memory_space<vmem>>
    %dma_wait3A_294 = arith.constant 0 : i32
    %dma_wait3A_295 = tpu.memref_slice %arg5[%add3A_287, %dma_wait3A_294] : memref<1000000x64xf32, #tpu.memory_space<hbm>> -> memref<50x64xf32, #tpu.memory_space<hbm>>
    %dma_wait3A_296 = tpu.memref_slice %arg14[%dma_wait3A_289] : memref<8x!tpu.dma_semaphore, #tpu.memory_space<semaphore_mem>> -> memref<1x!tpu.dma_semaphore, #tpu.memory_space<semaphore_mem>>
    %dma_wait3A_297 = tpu.memref_squeeze %dma_wait3A_296 : memref<1x!tpu.dma_semaphore, #tpu.memory_space<semaphore_mem>> -> memref<!tpu.dma_semaphore, #tpu.memory_space<semaphore_mem>>
    %dma_wait3A_298 = arith.constant 0 : i32
    %dma_wait3A_299 = tpu.memref_slice %arg5[%add3A_287, %dma_wait3A_298] : memref<1000000x64xf32, #tpu.memory_space<hbm>> -> memref<50x64xf32, #tpu.memory_space<hbm>>
    %dma_wait3A_300 = arith.constant 0 : i32
    %dma_wait3A_301 = arith.constant 0 : i32
    %dma_wait3A_302 = tpu.memref_slice %arg11[%dma_wait3A_288, %dma_wait3A_300, %dma_wait3A_301] : memref<8x50x64xf32, #tpu.memory_space<vmem>> -> memref<1x50x64xf32, #tpu.memory_space<vmem>>
    %dma_wait3A_303 = tpu.memref_squeeze %dma_wait3A_302 : memref<1x50x64xf32, #tpu.memory_space<vmem>> -> memref<50x64xf32, #tpu.memory_space<vmem>>
    tpu.wait_dma2 semaphore(%dma_wait3A_297 : memref<!tpu.dma_semaphore, #tpu.memory_space<semaphore_mem>>) src(%dma_wait3A_303 : memref<50x64xf32, #tpu.memory_space<vmem>>) dst(%dma_wait3A_299 : memref<50x64xf32, #tpu.memory_space<hbm>>)
    %add3A_304 = arith.constant 127 : i32
    %add3A_305 = arith.addi %scan3A_16#0, %add3A_304 : i32
    %and3A = arith.constant -128 : i32
    %and3A_306 = arith.andi %add3A_305, %and3A : i32
    %add3A_307 = vector.broadcast %scan3A_16#1 : i32 to vector<16xi32>
    %add3A_308 = arith.addi %broadcast_in_dim3A_3, %add3A_307 : vector<16xi32>
    %add3A_309 = vector.broadcast %scan3A_16#2 : i32 to vector<16xi32>
    %add3A_310 = arith.addi %broadcast_in_dim3A_3, %add3A_309 : vector<16xi32>
    %add3A_311 = arith.constant 0 : i32
    %add3A_312 = arith.addi %scan3A_16#0, %add3A_311 : i32
    %add3A_313 = vector.broadcast %add3A_312 : i32 to vector<16xi32>
    %add3A_314 = arith.addi %add3A_313, %iota3A : vector<16xi32>
    %lt3A = vector.broadcast %and3A_306 : i32 to vector<16xi32>
    %lt3A_315 = arith.cmpi slt, %add3A_314, %lt3A : vector<16xi32>
    %jit3A = arith.constant 0 : i32
    %jit3A_316 = arith.constant 16383 : i32
    %max3A = vector.broadcast %jit3A : i32 to vector<16xi32>
    %max3A_317 = arith.maxsi %max3A, %add3A_314 : vector<16xi32>
    %min3A = vector.broadcast %jit3A_316 : i32 to vector<16xi32>
    %min3A_318 = arith.minsi %min3A, %max3A_317 : vector<16xi32>
    %shift_right_arithmetic3A = arith.constant 7 : i32
    %shift_right_arithmetic3A_319 = vector.broadcast %shift_right_arithmetic3A : i32 to vector<16xi32>
    %shift_right_arithmetic3A_320 = arith.shrsi %min3A_318, %shift_right_arithmetic3A_319 : vector<16xi32>
    %and3A_321 = arith.constant 127 : i32
    %and3A_322 = vector.broadcast %and3A_321 : i32 to vector<16xi32>
    %and3A_323 = arith.andi %min3A_318, %and3A_322 : vector<16xi32>
    tpu.vector_store_idx %arg8[%shift_right_arithmetic3A_320, %and3A_323], %add3A_308 masked %lt3A_315 : memref<128x128xi32, #tpu.memory_space<vmem>>[vector<16xi32>, vector<16xi32>], vector<16xi32>, vector<16xi1>
    tpu.vector_store_idx %arg9[%shift_right_arithmetic3A_320, %and3A_323], %add3A_310 masked %lt3A_315 : memref<128x128xi32, #tpu.memory_space<vmem>>[vector<16xi32>, vector<16xi32>], vector<16xi32>, vector<16xi1>
    %add3A_324 = arith.constant 16 : i32
    %add3A_325 = arith.addi %scan3A_16#0, %add3A_324 : i32
    %add3A_326 = vector.broadcast %add3A_325 : i32 to vector<16xi32>
    %add3A_327 = arith.addi %add3A_326, %iota3A : vector<16xi32>
    %lt3A_328 = vector.broadcast %and3A_306 : i32 to vector<16xi32>
    %lt3A_329 = arith.cmpi slt, %add3A_327, %lt3A_328 : vector<16xi32>
    %jit3A_330 = arith.constant 0 : i32
    %jit3A_331 = arith.constant 16383 : i32
    %max3A_332 = vector.broadcast %jit3A_330 : i32 to vector<16xi32>
    %max3A_333 = arith.maxsi %max3A_332, %add3A_327 : vector<16xi32>
    %min3A_334 = vector.broadcast %jit3A_331 : i32 to vector<16xi32>
    %min3A_335 = arith.minsi %min3A_334, %max3A_333 : vector<16xi32>
    %shift_right_arithmetic3A_336 = arith.constant 7 : i32
    %shift_right_arithmetic3A_337 = vector.broadcast %shift_right_arithmetic3A_336 : i32 to vector<16xi32>
    %shift_right_arithmetic3A_338 = arith.shrsi %min3A_335, %shift_right_arithmetic3A_337 : vector<16xi32>
    %and3A_339 = arith.constant 127 : i32
    %and3A_340 = vector.broadcast %and3A_339 : i32 to vector<16xi32>
    %and3A_341 = arith.andi %min3A_335, %and3A_340 : vector<16xi32>
    tpu.vector_store_idx %arg8[%shift_right_arithmetic3A_338, %and3A_341], %add3A_308 masked %lt3A_329 : memref<128x128xi32, #tpu.memory_space<vmem>>[vector<16xi32>, vector<16xi32>], vector<16xi32>, vector<16xi1>
    tpu.vector_store_idx %arg9[%shift_right_arithmetic3A_338, %and3A_341], %add3A_310 masked %lt3A_329 : memref<128x128xi32, #tpu.memory_space<vmem>>[vector<16xi32>, vector<16xi32>], vector<16xi32>, vector<16xi1>
    %add3A_342 = arith.constant 32 : i32
    %add3A_343 = arith.addi %scan3A_16#0, %add3A_342 : i32
    %add3A_344 = vector.broadcast %add3A_343 : i32 to vector<16xi32>
    %add3A_345 = arith.addi %add3A_344, %iota3A : vector<16xi32>
    %lt3A_346 = vector.broadcast %and3A_306 : i32 to vector<16xi32>
    %lt3A_347 = arith.cmpi slt, %add3A_345, %lt3A_346 : vector<16xi32>
    %jit3A_348 = arith.constant 0 : i32
    %jit3A_349 = arith.constant 16383 : i32
    %max3A_350 = vector.broadcast %jit3A_348 : i32 to vector<16xi32>
    %max3A_351 = arith.maxsi %max3A_350, %add3A_345 : vector<16xi32>
    %min3A_352 = vector.broadcast %jit3A_349 : i32 to vector<16xi32>
    %min3A_353 = arith.minsi %min3A_352, %max3A_351 : vector<16xi32>
    %shift_right_arithmetic3A_354 = arith.constant 7 : i32
    %shift_right_arithmetic3A_355 = vector.broadcast %shift_right_arithmetic3A_354 : i32 to vector<16xi32>
    %shift_right_arithmetic3A_356 = arith.shrsi %min3A_353, %shift_right_arithmetic3A_355 : vector<16xi32>
    %and3A_357 = arith.constant 127 : i32
    %and3A_358 = vector.broadcast %and3A_357 : i32 to vector<16xi32>
    %and3A_359 = arith.andi %min3A_353, %and3A_358 : vector<16xi32>
    tpu.vector_store_idx %arg8[%shift_right_arithmetic3A_356, %and3A_359], %add3A_308 masked %lt3A_347 : memref<128x128xi32, #tpu.memory_space<vmem>>[vector<16xi32>, vector<16xi32>], vector<16xi32>, vector<16xi1>
    tpu.vector_store_idx %arg9[%shift_right_arithmetic3A_356, %and3A_359], %add3A_310 masked %lt3A_347 : memref<128x128xi32, #tpu.memory_space<vmem>>[vector<16xi32>, vector<16xi32>], vector<16xi32>, vector<16xi1>
    %add3A_360 = arith.constant 48 : i32
    %add3A_361 = arith.addi %scan3A_16#0, %add3A_360 : i32
    %add3A_362 = vector.broadcast %add3A_361 : i32 to vector<16xi32>
    %add3A_363 = arith.addi %add3A_362, %iota3A : vector<16xi32>
    %lt3A_364 = vector.broadcast %and3A_306 : i32 to vector<16xi32>
    %lt3A_365 = arith.cmpi slt, %add3A_363, %lt3A_364 : vector<16xi32>
    %jit3A_366 = arith.constant 0 : i32
    %jit3A_367 = arith.constant 16383 : i32
    %max3A_368 = vector.broadcast %jit3A_366 : i32 to vector<16xi32>
    %max3A_369 = arith.maxsi %max3A_368, %add3A_363 : vector<16xi32>
    %min3A_370 = vector.broadcast %jit3A_367 : i32 to vector<16xi32>
    %min3A_371 = arith.minsi %min3A_370, %max3A_369 : vector<16xi32>
    %shift_right_arithmetic3A_372 = arith.constant 7 : i32
    %shift_right_arithmetic3A_373 = vector.broadcast %shift_right_arithmetic3A_372 : i32 to vector<16xi32>
    %shift_right_arithmetic3A_374 = arith.shrsi %min3A_371, %shift_right_arithmetic3A_373 : vector<16xi32>
    %and3A_375 = arith.constant 127 : i32
    %and3A_376 = vector.broadcast %and3A_375 : i32 to vector<16xi32>
    %and3A_377 = arith.andi %min3A_371, %and3A_376 : vector<16xi32>
    tpu.vector_store_idx %arg8[%shift_right_arithmetic3A_374, %and3A_377], %add3A_308 masked %lt3A_365 : memref<128x128xi32, #tpu.memory_space<vmem>>[vector<16xi32>, vector<16xi32>], vector<16xi32>, vector<16xi1>
    tpu.vector_store_idx %arg9[%shift_right_arithmetic3A_374, %and3A_377], %add3A_310 masked %lt3A_365 : memref<128x128xi32, #tpu.memory_space<vmem>>[vector<16xi32>, vector<16xi32>], vector<16xi32>, vector<16xi1>
    %add3A_378 = arith.constant 64 : i32
    %add3A_379 = arith.addi %scan3A_16#0, %add3A_378 : i32
    %add3A_380 = vector.broadcast %add3A_379 : i32 to vector<16xi32>
    %add3A_381 = arith.addi %add3A_380, %iota3A : vector<16xi32>
    %lt3A_382 = vector.broadcast %and3A_306 : i32 to vector<16xi32>
    %lt3A_383 = arith.cmpi slt, %add3A_381, %lt3A_382 : vector<16xi32>
    %jit3A_384 = arith.constant 0 : i32
    %jit3A_385 = arith.constant 16383 : i32
    %max3A_386 = vector.broadcast %jit3A_384 : i32 to vector<16xi32>
    %max3A_387 = arith.maxsi %max3A_386, %add3A_381 : vector<16xi32>
    %min3A_388 = vector.broadcast %jit3A_385 : i32 to vector<16xi32>
    %min3A_389 = arith.minsi %min3A_388, %max3A_387 : vector<16xi32>
    %shift_right_arithmetic3A_390 = arith.constant 7 : i32
    %shift_right_arithmetic3A_391 = vector.broadcast %shift_right_arithmetic3A_390 : i32 to vector<16xi32>
    %shift_right_arithmetic3A_392 = arith.shrsi %min3A_389, %shift_right_arithmetic3A_391 : vector<16xi32>
    %and3A_393 = arith.constant 127 : i32
    %and3A_394 = vector.broadcast %and3A_393 : i32 to vector<16xi32>
    %and3A_395 = arith.andi %min3A_389, %and3A_394 : vector<16xi32>
    tpu.vector_store_idx %arg8[%shift_right_arithmetic3A_392, %and3A_395], %add3A_308 masked %lt3A_383 : memref<128x128xi32, #tpu.memory_space<vmem>>[vector<16xi32>, vector<16xi32>], vector<16xi32>, vector<16xi1>
    tpu.vector_store_idx %arg9[%shift_right_arithmetic3A_392, %and3A_395], %add3A_310 masked %lt3A_383 : memref<128x128xi32, #tpu.memory_space<vmem>>[vector<16xi32>, vector<16xi32>], vector<16xi32>, vector<16xi1>
    %add3A_396 = arith.constant 80 : i32
    %add3A_397 = arith.addi %scan3A_16#0, %add3A_396 : i32
    %add3A_398 = vector.broadcast %add3A_397 : i32 to vector<16xi32>
    %add3A_399 = arith.addi %add3A_398, %iota3A : vector<16xi32>
    %lt3A_400 = vector.broadcast %and3A_306 : i32 to vector<16xi32>
    %lt3A_401 = arith.cmpi slt, %add3A_399, %lt3A_400 : vector<16xi32>
    %jit3A_402 = arith.constant 0 : i32
    %jit3A_403 = arith.constant 16383 : i32
    %max3A_404 = vector.broadcast %jit3A_402 : i32 to vector<16xi32>
    %max3A_405 = arith.maxsi %max3A_404, %add3A_399 : vector<16xi32>
    %min3A_406 = vector.broadcast %jit3A_403 : i32 to vector<16xi32>
    %min3A_407 = arith.minsi %min3A_406, %max3A_405 : vector<16xi32>
    %shift_right_arithmetic3A_408 = arith.constant 7 : i32
    %shift_right_arithmetic3A_409 = vector.broadcast %shift_right_arithmetic3A_408 : i32 to vector<16xi32>
    %shift_right_arithmetic3A_410 = arith.shrsi %min3A_407, %shift_right_arithmetic3A_409 : vector<16xi32>
    %and3A_411 = arith.constant 127 : i32
    %and3A_412 = vector.broadcast %and3A_411 : i32 to vector<16xi32>
    %and3A_413 = arith.andi %min3A_407, %and3A_412 : vector<16xi32>
    tpu.vector_store_idx %arg8[%shift_right_arithmetic3A_410, %and3A_413], %add3A_308 masked %lt3A_401 : memref<128x128xi32, #tpu.memory_space<vmem>>[vector<16xi32>, vector<16xi32>], vector<16xi32>, vector<16xi1>
    tpu.vector_store_idx %arg9[%shift_right_arithmetic3A_410, %and3A_413], %add3A_310 masked %lt3A_401 : memref<128x128xi32, #tpu.memory_space<vmem>>[vector<16xi32>, vector<16xi32>], vector<16xi32>, vector<16xi1>
    %add3A_414 = arith.constant 96 : i32
    %add3A_415 = arith.addi %scan3A_16#0, %add3A_414 : i32
    %add3A_416 = vector.broadcast %add3A_415 : i32 to vector<16xi32>
    %add3A_417 = arith.addi %add3A_416, %iota3A : vector<16xi32>
    %lt3A_418 = vector.broadcast %and3A_306 : i32 to vector<16xi32>
    %lt3A_419 = arith.cmpi slt, %add3A_417, %lt3A_418 : vector<16xi32>
    %jit3A_420 = arith.constant 0 : i32
    %jit3A_421 = arith.constant 16383 : i32
    %max3A_422 = vector.broadcast %jit3A_420 : i32 to vector<16xi32>
    %max3A_423 = arith.maxsi %max3A_422, %add3A_417 : vector<16xi32>
    %min3A_424 = vector.broadcast %jit3A_421 : i32 to vector<16xi32>
    %min3A_425 = arith.minsi %min3A_424, %max3A_423 : vector<16xi32>
    %shift_right_arithmetic3A_426 = arith.constant 7 : i32
    %shift_right_arithmetic3A_427 = vector.broadcast %shift_right_arithmetic3A_426 : i32 to vector<16xi32>
    %shift_right_arithmetic3A_428 = arith.shrsi %min3A_425, %shift_right_arithmetic3A_427 : vector<16xi32>
    %and3A_429 = arith.constant 127 : i32
    %and3A_430 = vector.broadcast %and3A_429 : i32 to vector<16xi32>
    %and3A_431 = arith.andi %min3A_425, %and3A_430 : vector<16xi32>
    tpu.vector_store_idx %arg8[%shift_right_arithmetic3A_428, %and3A_431], %add3A_308 masked %lt3A_419 : memref<128x128xi32, #tpu.memory_space<vmem>>[vector<16xi32>, vector<16xi32>], vector<16xi32>, vector<16xi1>
    tpu.vector_store_idx %arg9[%shift_right_arithmetic3A_428, %and3A_431], %add3A_310 masked %lt3A_419 : memref<128x128xi32, #tpu.memory_space<vmem>>[vector<16xi32>, vector<16xi32>], vector<16xi32>, vector<16xi1>
    %add3A_432 = arith.constant 112 : i32
    %add3A_433 = arith.addi %scan3A_16#0, %add3A_432 : i32
    %add3A_434 = vector.broadcast %add3A_433 : i32 to vector<16xi32>
    %add3A_435 = arith.addi %add3A_434, %iota3A : vector<16xi32>
    %lt3A_436 = vector.broadcast %and3A_306 : i32 to vector<16xi32>
    %lt3A_437 = arith.cmpi slt, %add3A_435, %lt3A_436 : vector<16xi32>
    %jit3A_438 = arith.constant 0 : i32
    %jit3A_439 = arith.constant 16383 : i32
    %max3A_440 = vector.broadcast %jit3A_438 : i32 to vector<16xi32>
    %max3A_441 = arith.maxsi %max3A_440, %add3A_435 : vector<16xi32>
    %min3A_442 = vector.broadcast %jit3A_439 : i32 to vector<16xi32>
    %min3A_443 = arith.minsi %min3A_442, %max3A_441 : vector<16xi32>
    %shift_right_arithmetic3A_444 = arith.constant 7 : i32
    %shift_right_arithmetic3A_445 = vector.broadcast %shift_right_arithmetic3A_444 : i32 to vector<16xi32>
    %shift_right_arithmetic3A_446 = arith.shrsi %min3A_443, %shift_right_arithmetic3A_445 : vector<16xi32>
    %and3A_447 = arith.constant 127 : i32
    %and3A_448 = vector.broadcast %and3A_447 : i32 to vector<16xi32>
    %and3A_449 = arith.andi %min3A_443, %and3A_448 : vector<16xi32>
    tpu.vector_store_idx %arg8[%shift_right_arithmetic3A_446, %and3A_449], %add3A_308 masked %lt3A_437 : memref<128x128xi32, #tpu.memory_space<vmem>>[vector<16xi32>, vector<16xi32>], vector<16xi32>, vector<16xi1>
    tpu.vector_store_idx %arg9[%shift_right_arithmetic3A_446, %and3A_449], %add3A_310 masked %lt3A_437 : memref<128x128xi32, #tpu.memory_space<vmem>>[vector<16xi32>, vector<16xi32>], vector<16xi32>, vector<16xi1>
    %shift_right_arithmetic3A_450 = arith.constant 7 : i32
    %shift_right_arithmetic3A_451 = arith.shrsi %and3A_306, %shift_right_arithmetic3A_450 : i32
    %while3A = arith.constant 0 : i32
    %while3A_452 = arith.constant 0 : i32
    %while3A_453 = arith.subi %shift_right_arithmetic3A_451, %while3A_452 : i32
    %while3A_454 = arith.addi %while3A_452, %while3A_453 : i32
    %while3A_455 = arith.constant 1 : i32
    %while3A_456 = arith.divsi %while3A_453, %while3A_455 : i32
    %while3A_457 = arith.muli %while3A_456, %while3A_455 : i32
    %while3A_458 = arith.addi %while3A_452, %while3A_457 : i32
    %while3A_459 = arith.constant 1 : i32
    scf.for %while3A_461 = %while3A_452 to %while3A_458 step %while3A_459  : i32 {
      %dma_start3A_462 = arith.constant 0 : i32
      %dma_start3A_463 = tpu.memref_slice %arg9[%while3A_461, %dma_start3A_462] : memref<128x128xi32, #tpu.memory_space<vmem>> -> memref<1x128xi32, #tpu.memory_space<vmem>>
      %dma_start3A_464 = tpu.memref_squeeze %dma_start3A_463 : memref<1x128xi32, #tpu.memory_space<vmem>> -> memref<128xi32, #tpu.memory_space<vmem>>
      %dma_start3A_465 = arith.constant 0 : i32
      %dma_start3A_466 = arith.constant 0 : i32
      %dma_start3A_467 = tpu.memref_slice %arg4[%dma_start3A_465, %dma_start3A_466] : memref<16384x64xf32, #tpu.memory_space<hbm>> -> memref<16384x64xf32, #tpu.memory_space<hbm>>
      tpu.enqueue_indirect_dma source(%dma_start3A_467 : memref<16384x64xf32, #tpu.memory_space<hbm>>) target(%arg10 : memref<128x64xf32, #tpu.memory_space<vmem>>) offsets(%dma_start3A_464 : memref<128xi32, #tpu.memory_space<vmem>>) semaphore(%arg15 : memref<!tpu.dma_semaphore, #tpu.memory_space<semaphore_mem>>)
      %dma_wait3A_468 = arith.constant 0 : i32
      %dma_wait3A_469 = tpu.memref_slice %arg9[%while3A_461, %dma_wait3A_468] : memref<128x128xi32, #tpu.memory_space<vmem>> -> memref<1x128xi32, #tpu.memory_space<vmem>>
      %dma_wait3A_470 = tpu.memref_squeeze %dma_wait3A_469 : memref<1x128xi32, #tpu.memory_space<vmem>> -> memref<128xi32, #tpu.memory_space<vmem>>
      %dma_wait3A_471 = arith.constant 0 : i32
      %dma_wait3A_472 = arith.constant 0 : i32
      %dma_wait3A_473 = tpu.memref_slice %arg4[%dma_wait3A_471, %dma_wait3A_472] : memref<16384x64xf32, #tpu.memory_space<hbm>> -> memref<16384x64xf32, #tpu.memory_space<hbm>>
      tpu.wait_indirect_dma semaphore(%arg15 : memref<!tpu.dma_semaphore, #tpu.memory_space<semaphore_mem>>) src(%dma_wait3A_473 : memref<16384x64xf32, #tpu.memory_space<hbm>>) dst(%arg10 : memref<128x64xf32, #tpu.memory_space<vmem>>)
      %dma_start3A_474 = arith.constant 0 : i32
      %dma_start3A_475 = tpu.memref_slice %arg8[%while3A_461, %dma_start3A_474] : memref<128x128xi32, #tpu.memory_space<vmem>> -> memref<1x128xi32, #tpu.memory_space<vmem>>
      %dma_start3A_476 = tpu.memref_squeeze %dma_start3A_475 : memref<1x128xi32, #tpu.memory_space<vmem>> -> memref<128xi32, #tpu.memory_space<vmem>>
      %dma_start3A_477 = arith.constant 0 : i32
      %dma_start3A_478 = arith.constant 0 : i32
      %dma_start3A_479 = tpu.memref_slice %arg5[%dma_start3A_477, %dma_start3A_478] : memref<1000000x64xf32, #tpu.memory_space<hbm>> -> memref<1000000x64xf32, #tpu.memory_space<hbm>>
      tpu.enqueue_indirect_dma source(%arg10 : memref<128x64xf32, #tpu.memory_space<vmem>>) target(%dma_start3A_479 : memref<1000000x64xf32, #tpu.memory_space<hbm>>) offsets(%dma_start3A_476 : memref<128xi32, #tpu.memory_space<vmem>>) semaphore(%arg16 : memref<!tpu.dma_semaphore, #tpu.memory_space<semaphore_mem>>)
      %dma_wait3A_480 = arith.constant 0 : i32
      %dma_wait3A_481 = tpu.memref_slice %arg8[%while3A_461, %dma_wait3A_480] : memref<128x128xi32, #tpu.memory_space<vmem>> -> memref<1x128xi32, #tpu.memory_space<vmem>>
      %dma_wait3A_482 = tpu.memref_squeeze %dma_wait3A_481 : memref<1x128xi32, #tpu.memory_space<vmem>> -> memref<128xi32, #tpu.memory_space<vmem>>
      %dma_wait3A_483 = arith.constant 0 : i32
      %dma_wait3A_484 = arith.constant 0 : i32
      %dma_wait3A_485 = tpu.memref_slice %arg5[%dma_wait3A_483, %dma_wait3A_484] : memref<1000000x64xf32, #tpu.memory_space<hbm>> -> memref<1000000x64xf32, #tpu.memory_space<hbm>>
      tpu.wait_indirect_dma semaphore(%arg16 : memref<!tpu.dma_semaphore, #tpu.memory_space<semaphore_mem>>) src(%arg10 : memref<128x64xf32, #tpu.memory_space<vmem>>) dst(%dma_wait3A_485 : memref<1000000x64xf32, #tpu.memory_space<hbm>>)
    }
    %while3A_460 = arith.constant 1 : i32
    scf.for %while3A_461 = %while3A_458 to %while3A_454 step %while3A_460  : i32 {
      %dma_start3A_462 = arith.constant 0 : i32
      %dma_start3A_463 = tpu.memref_slice %arg9[%while3A_461, %dma_start3A_462] : memref<128x128xi32, #tpu.memory_space<vmem>> -> memref<1x128xi32, #tpu.memory_space<vmem>>
      %dma_start3A_464 = tpu.memref_squeeze %dma_start3A_463 : memref<1x128xi32, #tpu.memory_space<vmem>> -> memref<128xi32, #tpu.memory_space<vmem>>
      %dma_start3A_465 = arith.constant 0 : i32
      %dma_start3A_466 = arith.constant 0 : i32
      %dma_start3A_467 = tpu.memref_slice %arg4[%dma_start3A_465, %dma_start3A_466] : memref<16384x64xf32, #tpu.memory_space<hbm>> -> memref<16384x64xf32, #tpu.memory_space<hbm>>
      tpu.enqueue_indirect_dma source(%dma_start3A_467 : memref<16384x64xf32, #tpu.memory_space<hbm>>) target(%arg10 : memref<128x64xf32, #tpu.memory_space<vmem>>) offsets(%dma_start3A_464 : memref<128xi32, #tpu.memory_space<vmem>>) semaphore(%arg15 : memref<!tpu.dma_semaphore, #tpu.memory_space<semaphore_mem>>)
      %dma_wait3A_468 = arith.constant 0 : i32
      %dma_wait3A_469 = tpu.memref_slice %arg9[%while3A_461, %dma_wait3A_468] : memref<128x128xi32, #tpu.memory_space<vmem>> -> memref<1x128xi32, #tpu.memory_space<vmem>>
      %dma_wait3A_470 = tpu.memref_squeeze %dma_wait3A_469 : memref<1x128xi32, #tpu.memory_space<vmem>> -> memref<128xi32, #tpu.memory_space<vmem>>
      %dma_wait3A_471 = arith.constant 0 : i32
      %dma_wait3A_472 = arith.constant 0 : i32
      %dma_wait3A_473 = tpu.memref_slice %arg4[%dma_wait3A_471, %dma_wait3A_472] : memref<16384x64xf32, #tpu.memory_space<hbm>> -> memref<16384x64xf32, #tpu.memory_space<hbm>>
      tpu.wait_indirect_dma semaphore(%arg15 : memref<!tpu.dma_semaphore, #tpu.memory_space<semaphore_mem>>) src(%dma_wait3A_473 : memref<16384x64xf32, #tpu.memory_space<hbm>>) dst(%arg10 : memref<128x64xf32, #tpu.memory_space<vmem>>)
      %dma_start3A_474 = arith.constant 0 : i32
      %dma_start3A_475 = tpu.memref_slice %arg8[%while3A_461, %dma_start3A_474] : memref<128x128xi32, #tpu.memory_space<vmem>> -> memref<1x128xi32, #tpu.memory_space<vmem>>
      %dma_start3A_476 = tpu.memref_squeeze %dma_start3A_475 : memref<1x128xi32, #tpu.memory_space<vmem>> -> memref<128xi32, #tpu.memory_space<vmem>>
      %dma_start3A_477 = arith.constant 0 : i32
      %dma_start3A_478 = arith.constant 0 : i32
      %dma_start3A_479 = tpu.memref_slice %arg5[%dma_start3A_477, %dma_start3A_478] : memref<1000000x64xf32, #tpu.memory_space<hbm>> -> memref<1000000x64xf32, #tpu.memory_space<hbm>>
      tpu.enqueue_indirect_dma source(%arg10 : memref<128x64xf32, #tpu.memory_space<vmem>>) target(%dma_start3A_479 : memref<1000000x64xf32, #tpu.memory_space<hbm>>) offsets(%dma_start3A_476 : memref<128xi32, #tpu.memory_space<vmem>>) semaphore(%arg16 : memref<!tpu.dma_semaphore, #tpu.memory_space<semaphore_mem>>)
      %dma_wait3A_480 = arith.constant 0 : i32
      %dma_wait3A_481 = tpu.memref_slice %arg8[%while3A_461, %dma_wait3A_480] : memref<128x128xi32, #tpu.memory_space<vmem>> -> memref<1x128xi32, #tpu.memory_space<vmem>>
      %dma_wait3A_482 = tpu.memref_squeeze %dma_wait3A_481 : memref<1x128xi32, #tpu.memory_space<vmem>> -> memref<128xi32, #tpu.memory_space<vmem>>
      %dma_wait3A_483 = arith.constant 0 : i32
      %dma_wait3A_484 = arith.constant 0 : i32
      %dma_wait3A_485 = tpu.memref_slice %arg5[%dma_wait3A_483, %dma_wait3A_484] : memref<1000000x64xf32, #tpu.memory_space<hbm>> -> memref<1000000x64xf32, #tpu.memory_space<hbm>>
      tpu.wait_indirect_dma semaphore(%arg16 : memref<!tpu.dma_semaphore, #tpu.memory_space<semaphore_mem>>) src(%arg10 : memref<128x64xf32, #tpu.memory_space<vmem>>) dst(%dma_wait3A_485 : memref<1000000x64xf32, #tpu.memory_space<hbm>>)
    }
    return
  }
}

</mosaic_0001>

<sc_bundles>
// kernel: kernel.3.cloned.1.call-start
scs
__scs_entry_jumppad:
0x0: {  	(pc) =	sbr.rel $0x88, $3  }
0x1: {  	(tag) =	ssettag $0x0;
	lr =	simm.s32 $0x1  }
0x2: {  	[smem:$0x3F9E] =	sst lr;
	_ =	strace $0xD0000000  }
0x3: {  	_ = 	snop  }
0x4: {  	_ = 	snop  }
0x5: {  	_ = 	snop  }
0x6: {  	_ = 	snop  }
0x7: {  	_ = 	snop  }
__scs_overlays_trampoline_lowered:
0x8: {  	[smem:$0x3FAD] =	sst s0  }
0x9: {  	[smem:$0x3FAE] =	sst s1  }
0xa: {  	[smem:$0x3FAF] =	sst s2  }
0xb: {  	[smem:$0x3FB0] =	sst s3  }
0xc: {  	[smem:$0x3FB1] =	sst s4  }
0xd: {  	[smem:$0x3FB2] =	sst s5  }
0xe: {  	[smem:$0x3FB3] =	sst s6  }
0xf: {  	[smem:$0x3FB4] =	sst s7  }
0x10: {  	[smem:$0x3FB5] =	sst s8  }
0x11: {  	[smem:$0x3FB6] =	sst s9;
	s0 =	simm.s32 @!p0 $0x0  }
0x12: {  	s1 =	sld [smem:$0x3F9C];
	s0 =	simm.s32 @p0 $0x1  }
0x13: {  	[smem:$0x3FB7] =	sst s0;
	s0 =	simm.s32 @!p1 $0x0  }
0x14: {  	s2 =	sld [smem:$0x3F9B];
	s0 =	simm.s32 @p1 $0x1  }
0x15: {  	[smem:$0x3FB8] =	sst s0;
	s0 =	simm.s32 @!p2 $0x0  }
0x16: {  	s3 =	sld [smem:$0x3FDB];
	s0 =	simm.s32 @p2 $0x1  }
0x17: {  	s4 =	simm.s32 $0x1BF5;
	[smem:$0x3FBA] =	sst s0  }
0x18: {  	s0 =	sld [smem:$0x3F9D];
	_ =	swait.ge [sflag:s4], $0x0  }
0x19: {  	s7 =	sld [smem:$0x3F9E]  }
0x1a: {  	s8 =	sadd.s32 $0xFFFFE003, lr  }
0x1b: {  	s9 =	sadd.s32 $0xFFFFFEF7, lr;
	s5 =	simm.s32 $0xFFFFFFFF;
	p2 =	slt.u32 s8, $0xFFFFF086  }
0x1c: {  	p1 =	slt.u32 s9, $0xF7A;
	s5 =	simm.s32 @!p2 $0x0  }
0x1d: {  	s5 =	simm.s32 @p1 $0x1;
	p0 =	seq.s32 s7, s2  }
0x1e: {  	s7 =	smul.u32 @!p0 $0xF7A, s2;
	p2 =	seq.s32 @!p0 s5, $0x0  }
0x1f: {  	s9 =	smul.u32 $0xF7A, s1;
	s8 =	simm.s32 @!p0 $0x1BF5;
	p2 =	por !p2, p0  }
0x20: {  	[sflag:s8] =	ssyncset.s32 @!p0 $0xFFFFF086;
	s6 =	sadd.s32 @!p0 s3, s7;
	s7 =	simm.s32 @!p0 $0x108  }
0x21: {  	s3 =	sadd.s32 s3, s9;
	s6 =	sadd.s32 @!p0 $0x88, s6;
	s7 =	simm.s32 @p2 $0x1082  }
0x22: {  	[simem:s7], [sflag:s8] =	dma.local @!p0 [hbm:s6], $0xF7A  }
0x23: {  	s9 =	sor.u32 $0xD0000000, s2;
	s6 =	simm.s32 $0x108;
	_ =	swait.ge @!p0 [sflag:s8], $0x0  }
0x24: {  	s3 =	sadd.s32 $0x88, s3;
	s6 =	simm.s32 @!p1 $0x1082;
	[sflag:s4] =	ssyncset.s32 $0xFFFFF086  }
0x25: {  	[simem:s6], [sflag:s4] =	dma.local [hbm:s3], $0xF7A  }
0x26: {  	[smem:$0x3F9E] =	sst s1;
	(tag) =	ssettag s2;
	_ =	strace s9  }
0x27: {  	s1 =	sld [smem:$0x3FAE]  }
0x28: {  	s2 =	sld [smem:$0x3FAF]  }
0x29: {  	s4 =	sld [smem:$0x3FB1]  }
0x2a: {  	p0 =	seq.s32 s5, $0x0;
	s5 =	sld [smem:$0x3FB2]  }
0x2b: {  	s6 =	sld [smem:$0x3FB3]  }
0x2c: {  	s7 =	sld [smem:$0x3FB4]  }
0x2d: {  	s3 =	simm.s32 $0x108;
	s8 =	sld [smem:$0x3FB5]  }
0x2e: {  	s3 =	simm.s32 @!p0 $0x1082;
	s9 =	sld [smem:$0x3FB6]  }
0x2f: {  	lr =	sadd.s32 s0, s3;
	s0 =	sld [smem:$0x3FAD]  }
0x30: {  	s3 =	sld [smem:$0x3FB0]  }
0x31: {  	[smem:$0x3FB9] =	sst s10  }
0x32: {  	s10 =	sld [smem:$0x3FB7];
	_ =	sdelay $0x3  }
0x33: {  	p0 =	seq.s32 s10, $0x1;
	s10 =	sld [smem:$0x3FB9];
	_ =	sdelay $0x3  }
0x34: {  	[smem:$0x3FB9] =	sst s10  }
0x35: {  	s10 =	sld [smem:$0x3FB8];
	_ =	sdelay $0x3  }
0x36: {  	p1 =	seq.s32 s10, $0x1;
	s10 =	sld [smem:$0x3FB9];
	_ =	sdelay $0x3  }
0x37: {  	[smem:$0x3FB9] =	sst s10  }
0x38: {  	s10 =	sld [smem:$0x3FBA]  }
0x39: {  	_ = 	snop;
	(pc) =	sbr.ind lr, $3  }
0x3a: {  	_ = 	snop  }
0x3b: {  	_ = 	snop  }
0x3c: {  	p2 =	seq.s32 s10, $0x1;
	s10 =	sld [smem:$0x3FB9]  }
0x3d: {  	_ =	shalt  }
0x3e: {  	_ =	shalt  }
0x3f: {  	_ =	shalt  }
0x40: {  	_ =	shalt  }
0x41: {  	_ =	shalt  }
0x42: {  	_ =	shalt  }
0x43: {  	_ =	shalt  }
0x44: {  	_ =	shalt  }
0x45: {  	_ =	shalt  }
0x46: {  	_ =	shalt  }
0x47: {  	_ =	shalt  }
0x48: {  	_ =	shalt  }
0x49: {  	_ =	shalt  }
0x4a: {  	_ =	shalt  }
0x4b: {  	_ =	shalt  }
0x4c: {  	_ =	shalt  }
0x4d: {  	_ =	shalt  }
0x4e: {  	_ =	shalt  }
0x4f: {  	_ =	shalt  }
0x50: {  	_ =	shalt  }
0x51: {  	_ =	shalt  }
0x52: {  	_ =	shalt  }
0x53: {  	_ =	shalt  }
0x54: {  	_ =	shalt  }
0x55: {  	_ =	shalt  }
0x56: {  	_ =	shalt  }
0x57: {  	_ =	shalt  }
0x58: {  	_ =	shalt  }
0x59: {  	_ =	shalt  }
0x5a: {  	_ =	shalt  }
0x5b: {  	_ =	shalt  }
0x5c: {  	_ =	shalt  }
0x5d: {  	_ =	shalt  }
0x5e: {  	_ =	shalt  }
0x5f: {  	_ =	shalt  }
0x60: {  	_ =	shalt  }
0x61: {  	_ =	shalt  }
0x62: {  	_ =	shalt  }
0x63: {  	_ =	shalt  }
0x64: {  	_ =	shalt  }
0x65: {  	_ =	shalt  }
0x66: {  	_ =	shalt  }
0x67: {  	_ =	shalt  }
0x68: {  	_ =	shalt  }
0x69: {  	_ =	shalt  }
0x6a: {  	_ =	shalt  }
0x6b: {  	_ =	shalt  }
0x6c: {  	_ =	shalt  }
0x6d: {  	_ =	shalt  }
0x6e: {  	_ =	shalt  }
0x6f: {  	_ =	shalt  }
0x70: {  	_ =	shalt  }
0x71: {  	_ =	shalt  }
0x72: {  	_ =	shalt  }
0x73: {  	_ =	shalt  }
0x74: {  	_ =	shalt  }
0x75: {  	_ =	shalt  }
0x76: {  	_ =	shalt  }
0x77: {  	_ =	shalt  }
0x78: {  	_ =	shalt  }
0x79: {  	_ =	shalt  }
0x7a: {  	_ =	shalt  }
0x7b: {  	_ =	shalt  }
0x7c: {  	_ =	shalt  }
0x7d: {  	_ =	shalt  }
0x7e: {  	_ =	shalt  }
0x7f: {  	_ =	shalt  }
0x80: {  	_ =	shalt  }
0x81: {  	_ =	shalt  }
0x82: {  	_ =	shalt  }
0x83: {  	_ =	shalt  }
0x84: {  	_ =	shalt  }
0x85: {  	_ =	shalt  }
0x86: {  	_ =	shalt  }
0x87: {  	_ =	shalt  }
.Lfunc_end0:
.L_simem_size_0:
called_computation.1_lowered:
.L_overlay_start_0:
0x88: {  	s2 =	sld [smem:$0x3FD9]  }
0x89: {  	s3 =	sld [smem:$0x3FFE];
	_ =	sdelay $0x1  }
0x8a: {  	s1 =	srdreg.scid  }
0x8b: {  	s0 =	sand.u32 $0x1, s1  }
0x8c: {  	s17 =	sshll.u32 s0, $0xA;
	s2 =	sadd.s32 s3, s2  }
0x8d: {  	s2 =	sadd.s32 s2, s17  }
0x8e: {  	[smem:$0x3FC5] =	sst s2  }
0x8f: {  	_ = 	snop  }
0x90: {  	s2 =	sld [smem:$0x3FC8]  }
0x91: {  	s18 =	sld [smem:$0x3FD0];
	(tm) =	ssettm $0x1  }
0x92: {  	s4 =	sld [smem:$0x3FFB];
	_ =	sdelay $0x3  }
0x93: {  	_ =	strace s4  }
0x94: {  	s4 =	sld [smem:$0x3FFC];
	_ =	sdelay $0x3  }
0x95: {  	_ =	strace s4  }
0x96: {  	s4 =	sld [smem:$0x3FFD];
	_ =	sdelay $0x3  }
0x97: {  	_ =	strace s4  }
0x98: {  	_ =	strace $0x8FFFFFFF  }
0x99: {  	s19 =	sld [smem:$0x3FDB];
	_ =	sdelay $0x1  }
0x9a: {  	s5 =	simm.s32 $_scs_section_size  }
0x9b: {  	s6 =	simm.s32 $_size__tile_overlayer_lowered;
	s7 =	simm.s32 $_tile_overlayer_lowered  }
0x9c: {  	s22 =	simm.s32 $0x1BFF;
	s21 =	sshll.u32 s7, $0x1;
	s4 =	sadd.s32 s5, s19  }
0x9d: {  	s8 =	simm.s32 $0x0;
	s20 =	sshll.u32 s6, $0x1;
	s6 =	sadd.s32 s21, s4  }
0x9e: {  	[timem:s8], [sflag:s22] =	dma.local [hbm:s6], s20  }
0x9f: {  	_ =	swait.ge [sflag:s22], s20  }
0xa0: {  	s5 =	ssub.s32 $0x0, s20;
	[sflag:s22] =	ssyncset.done $0x0  }
0xa1: {  	[sflag:s22] =	ssyncadd.s32 s5;
	_ =	sdelay $0x1  }
0xa2: {  	s23 =	simm.s32 $0x1B8B  }
0xa3: {  	_ =	swait.ge [sflag:s23], $0x1  }
0xa4: {  	[sflag:s23] =	ssyncset.done $0x0  }
0xa5: {  	s25 =	simm.s32 $0x1B8E;
	s24 =	sld [smem:$0x3FFE];
	[sflag:s23] =	ssyncadd.s32 $0xFFFFFFFF  }
0xa6: {  	s26 =	simm.s32 $execute0_lowered;
	[smem:$0x3FD2] =	sst s25  }
0xa7: {  	s6 =	sshll.u32 s26, $0x1;
	_ =	strace $0x80000046;
	[dreg:$0x1] =	wrdreg $0xFFFFFFFF  }
0xa8: {  	s28 =	simm.s32 $_size_execute0_lowered;
	s4 =	sadd.s32 s4, s6;
	[dreg:$0x0] =	wrdreg $0x0  }
0xa9: {  	s6 =	sshll.u32 s28, $0x1;
	[dreg:$0x2] =	wrdreg s4  }
0xaa: {  	[dreg:$0x3] =	wrdreg s6  }
0xab: {  	[dreg:$0x4] =	wrdreg $0xC0  }
0xac: {  	_ =	task [dreg:s8], $0x5FFFF  }
0xad: {  	[dreg:$0x1] =	wrdreg $0xFFFFFFFF  }
0xae: {  	[dreg:$0x0] =	wrdreg $0x60  }
0xaf: {  	[dreg:$0x2] =	wrdreg s18  }
0xb0: {  	[dreg:$0x3] =	wrdreg s2  }
0xb1: {  	[dreg:$0x4] =	wrdreg s24  }
0xb2: {  	[dreg:$0x5] =	wrdreg $0x9  }
0xb3: {  	_ =	task.clear_ibuf [dreg:s8], $0x6FFFF;
	_ =	strace $0x90000046  }
0xb4: {  	s29 =	simm.s32 $0x9;
	_ =	strace $0x80000048  }
0xb5: {  	_ =	swait.ge [sflag:s29], $0x1  }
0xb6: {  	[sflag:s29] =	ssyncadd.s32 $0xFFFFFFFF  }
0xb7: {  	_ =	strace $0x90000048  }
0xb8: {  	_ =	sfence  }
0xb9: {  	s30 =	sld [smem:$0x0];
	_ =	sdelay $0x2  }
0xba: {  	s31 =	sshll.u32 s1, $0xD;
	s1 =	sshrl.u32 s1, $0x2  }
0xbb: {  	s3 =	sand.u32 $0x4000, s31;
	s1 =	sadd.s32 s1, s30  }
0xbc: {  	s0 =	sor.u32 s3, s0;
	s1 =	sshll.u32 s1, $0x11  }
0xbd: {  	s0 =	sor.u32 s1, s0  }
0xbe: {  	s0 =	sadd.s32 $0x8F2B, s0  }
0xbf: {  	[sflag:s0] =	ssyncadd.remote.s32 $0x1  }
0xc0: {  	_ =	sfence.sel $0xFFFF  }
0xc1: {  	[dreg:$0x0] =	wrdreg $0xFFFFFFFF;
	(pc) =	sbr.abs _section_cstart, $3  }
0xc2: {  	[dreg:$0x1] =	wrdreg $0xFFFFFFFF  }
0xc3: {  	_ =	task.clear_ibuf [dreg:s8], $0x2FFFF;
	_ =	strace $0x9FFFFFFF  }
0xc4: {  	(tm) =	ssettm $0x7FFFFFFF  }
0xc5: {  	_ =	shalt  }
tec
execute0_lowered:
.L_overlay_start_1:
0x0: {  	(tag) =	ssettag $0x1  }
0x1: {  	s1 =	rddreg [dreg:$0x0]  }
0x2: {  	s0 =	rddreg [dreg:$0x2]  }
0x3: {  	s4 =	simm.s32 $0x0;
	s2 =	srdreg.scid;
	s11 =	stileid.u32  }
0x4: {  	s16 =	simm.s32 $0x4000;
	s17 =	simm.s32 $0xBA18;
	s26 =	smul.u32 $0xF424, s11  }
0x5: {  	s2 =	sand.u32 $0x1, s2;
	s3 =	sshll.u32 s11, $0x1;
	s11 =	smul.u32 $0x7A120, s11  }
0x6: {  	s18 =	simm.s32 $0xFA18;
	s22 =	simm.s32 $0x80;
	s10 =	smul.u32 $0x7A12, s2  }
0x7: {  	s3 =	sor.u32 s2, s3;
	s7 =	ssub.s32 $0x2, s2;
	s2 =	smul.u32 $0x3D090, s2  }
0x8: {  	[smem:$0x7FF] =	sst s4;
	s5 =	sadd.s32 $0xA00, s0;
	s8 =	smul.u32 $0x1E8480, s3  }
0x9: {  	s6 =	sadd.s32 $0x20A00, s0;
	s24 =	sshrl.u32 s7, $0x1;
	s3 =	smul.u32 $0x7A12, s3  }
0xa: {  	_ =	strace $0x80000047;
	s0 =	ssub.s32 s7, s24;
	s2 =	sadd.s32 s2, s11  }
0xb: {  	s24 =	simm.s32 $0x13A18;
	s25 =	sshrl.u32 s8, $0x3;
	s9 =	sadd.s32 $0x7A12, s3  }
0xc: {  	s0 =	smax.u32 s0, $0x1;
	[dreg:$0x9] =	wrdreg s2;
	s7 =	sadd.s32 s6, s25  }
0xd: {  	s8 =	sadd.s32 s10, s26;
	[dreg:$0x8] =	wrdreg s0;
	s12 =	sadd.s32 $0x3CA50, s7  }
0xe: {  	s30 =	sshll.u32 s8, $0x3;
	s28 =	sadd.s32 $0x3CBE0, s7;
	[dreg:$0x4] =	wrdreg s12  }
.Ltmp0:
0xf: {  	s29 =	sadd.s32 $0x3CD70, s7;
	[dreg:$0x5] =	wrdreg s28;
	(pc) =	sbr.rel .LBB2_1-.Ltmp0, $4  }
0x10: {  	s7 =	sadd.s32 $0x3CF00, s7;
	s31 =	sadd.s32 s1, s30;
	[dreg:$0x6] =	wrdreg s29  }
0x11: {  	s0 =	sadd.s32 s6, s30;
	[dreg:$0x7] =	wrdreg s7;
	s2 =	sadd.s32 $0x1E780, s31  }
0x12: {  	v2 =	vlaneseq.u32;
	vm0 =	vmxor vm0, vm0;
	s26 =	simm.s32 $0x12;
	s0 =	sadd.s32 $0x1E140, s0;
	[dreg:$0xa] =	wrdreg s2  }
0x13: {  	v3 =	vimm.s32 $0x0;
	v0 =	vmov s3;
	v1 =	vmov s9;
	s8 =	simm.s32 $0x0;
	s7 =	simm.s32 $0x13;
	[dreg:$0xb] =	wrdreg s0  }
.LBB2_8:
0x14: {  	[sflag:s7] =	ssyncadd.s32 $0xFFFFE000;
	s8 =	rddreg [dreg:$0xc]  }
.LBB2_9:
0x15: {  	s8 =	sadd.s32 $0x1, s8;
	s0 =	rddreg [dreg:$0x8]  }
0x16: {  	p0 =	sne.s32 s8, s0  }
.Ltmp1:
0x17: {  	_ = 	snop;
	(pc) =	sbr.rel @!p0 .LBB2_10-.Ltmp1, $1  }
0x18: {  	_ =	sdelay $0x3  }
.LBB2_1:
0x19: {  	[dreg:$0xc] =	wrdreg s8  }
0x1a: {  	s0 =	rddreg [dreg:$0x1];
	s31 =	simm.s32 $0x1  }
0x1b: {  	[tilespmem:s4], [sflag:$0x1] =	stream.linear.gather [hbm4b:s0+s4], $0x4000, $0x38;
	[tilespmem:$0x1BE18] =	vst v63  }
0x1c: {  	_ =	swait.ge [sflag:s31], $0x4000  }
0x1d: {  	s9 =	simm.s32 $0x0;
	[sflag:s31] =	ssyncset.done $0x0  }
0x1e: {  	s0 =	simm.s32 $0x0;
	s3 =	rddreg [dreg:$0x9];
	[sflag:s31] =	ssyncadd.s32 $0xFFFFC000  }
.LBB2_2:
0x1f: {  	p0 =	slt.u32 s9, $0x8  }
0x20: {  	s2 =	sand.u32 @!p0 $0x7, s9  }
0x21: {  	s10 =	sadd.s32 @!p0 $0xA, s2;
	s2 =	smov.u32 @p0 s9  }
0x22: {  	s11 =	smul.u32 $0x3200, s2  }
0x23: {  	s20 =	sadd.s32 s3, s1;
	_ =	swait.ge @!p0 [sflag:s10], $0xC80  }
0x24: {  	s2 =	sadd.s32 $0x2, s2;
	[sflag:s10] =	ssyncset.done @!p0 $0x0;
	s19 =	sshra.s32 s11, $0x2  }
0x25: {  	[sflag:s10] =	ssyncadd.s32 @!p0 $0xFFFFF380;
	p0 =	slt.u32 s9, $0x4;
	s10 =	sadd.s32 $0x15A18, s19  }
0x26: {  	[tilespmem:s10], [sflag:s2] =	stream.linear.gather [hbm4b:s20+s4], $0xC80, $0x38;
	[tilespmem:$0x1BE18] =	vst v63  }
0x27: {  	s2 =	sadd.s32 @!p0 $0xFFFFFFFC, s9  }
0x28: {  	s2 =	sand.u32 @!p0 $0x7, s2  }
0x29: {  	s10 =	sadd.s32 @!p0 $0x2, s2  }
0x2a: {  	_ =	swait.ge @!p0 [sflag:s10], $0xC80  }
0x2b: {  	s11 =	smul.u32 @!p0 $0x3200, s2;
	[sflag:s10] =	ssyncset.done @!p0 $0x0  }
0x2c: {  	s21 =	smin.u32 s0, $0x3FF;
	[sflag:s10] =	ssyncadd.s32 @!p0 $0xFFFFF380;
	s10 =	sadd.s32 @!p0 $0xFFFFF9C0, s3  }
0x2d: {  	s12 =	simm.s32 @!p0 $0x0;
	s11 =	sshrl.u32 @!p0 s11, $0x2;
	s10 =	sand.u32 @!p0 $0x1FFFFFF0, s10  }
0x2e: {  	s2 =	sadd.s32 @!p0 $0xA, s2;
	s11 =	sadd.s32 @!p0 $0x15A18, s11;
	s10 =	sadd.s32 @!p0 s6, s10  }
0x2f: {  	[hbm4b:s10+s12] =	stream.linear.scatter @!p0 [tilespmem:s11], [sflag:s2], $0xC80, $0x38;
	[tilespmem:$0x1BE18] =	vst v63  }
0x30: {  	s2 =	sshll.u32 s21, $0x4  }
0x31: {  	v4 =	vld [tilespmem:s2+$0x0];
	_ =	sdelay $0x3  }
0x32: {  	vm1 =	vmmov vm0  }
0x33: {  	p0 =	slt.u32 s9, $0x100;
	vm2 =	vge.s32 v4, v0;
	vm3 =	vlt.s32 v4, v1;
	v4 =	vsub.s32 v4, v0  }
0x34: {  	vm1 =	vmneg @p0 vm1;
	vm2 =	vmand vm2, vm3;
	vm3 =	vgt.s32 v4, $0x0  }
0x35: {  	vm2 =	vmand vm1, vm2;
	v4 =	vnsel vm3, $0x0, v4  }
0x36: {  	v4 =	vmin.u32 v4, $0x7A11;
	_ =	sdelay $0x2  }
0x37: {  	s23 =	sadd.s32 $0x1, s0  }
0x38: {  	s25 =	smin.u32 s23, $0x3FF;
	v5 =	vor.u32 s2, v2  }
0x39: {  	s2 =	sshll.u32 s25, $0x4;
	[tilespmem:v4+s16+$0x0] =	vst.idx.msk vm2, v5  }
0x3a: {  	v4 =	vld [tilespmem:s2+$0x0];
	_ =	sdelay $0x4  }
0x3b: {  	vm2 =	vge.s32 v4, v0;
	vm3 =	vlt.s32 v4, v1;
	v4 =	vsub.s32 v4, v0  }
0x3c: {  	vm2 =	vmand vm2, vm3;
	vm3 =	vgt.s32 v4, $0x0  }
0x3d: {  	vm2 =	vmand vm1, vm2;
	v4 =	vnsel vm3, $0x0, v4  }
0x3e: {  	v4 =	vmin.u32 v4, $0x7A11;
	_ =	sdelay $0x2  }
0x3f: {  	s28 =	sadd.s32 $0x2, s0  }
0x40: {  	s29 =	smin.u32 s28, $0x3FF;
	v5 =	vor.u32 s2, v2  }
0x41: {  	s2 =	sshll.u32 s29, $0x4;
	[tilespmem:v4+s16+$0x0] =	vst.idx.msk vm2, v5  }
0x42: {  	v4 =	vld [tilespmem:s2+$0x0];
	_ =	sdelay $0x4  }
0x43: {  	vm2 =	vge.s32 v4, v0;
	vm3 =	vlt.s32 v4, v1;
	v4 =	vsub.s32 v4, v0  }
0x44: {  	vm2 =	vmand vm2, vm3;
	vm3 =	vgt.s32 v4, $0x0  }
0x45: {  	vm2 =	vmand vm1, vm2;
	v4 =	vnsel vm3, $0x0, v4  }
0x46: {  	v4 =	vmin.u32 v4, $0x7A11;
	_ =	sdelay $0x2  }
0x47: {  	s30 =	sadd.s32 $0x3, s0  }
0x48: {  	s31 =	smin.u32 s30, $0x3FF;
	v5 =	vor.u32 s2, v2  }
0x49: {  	s2 =	sshll.u32 s31, $0x4;
	[tilespmem:v4+s16+$0x0] =	vst.idx.msk vm2, v5  }
0x4a: {  	v4 =	vld [tilespmem:s2+$0x0];
	_ =	sdelay $0x4  }
0x4b: {  	vm2 =	vge.s32 v4, v0;
	vm3 =	vlt.s32 v4, v1;
	v4 =	vsub.s32 v4, v0  }
0x4c: {  	vm2 =	vmand vm2, vm3;
	vm3 =	vgt.s32 v4, $0x0  }
0x4d: {  	s0 =	sadd.s32 $0x4, s0;
	vm1 =	vmand vm1, vm2;
	v4 =	vnsel vm3, $0x0, v4  }
0x4e: {  	p0 =	sne.s32 s0, $0x4E0;
	v4 =	vmin.u32 v4, $0x7A11  }
.Ltmp2:
0x4f: {  	_ = 	snop;
	(pc) =	sbr.rel @p0 .LBB2_2-.Ltmp2, $3  }
0x50: {  	_ =	sdelay $0x1  }
0x51: {  	v5 =	vor.u32 s2, v2  }
0x52: {  	s3 =	sadd.s32 $0x190, s3;
	s9 =	sadd.s32 $0x1, s9;
	[tilespmem:v4+s16+$0x0] =	vst.idx.msk vm1, v5  }
0x53: {  	s0 =	simm.s32 $0x138  }
0x54: {  	s11 =	simm.s32 $0x4E0;
	s9 =	simm.s32 $0x134;
	s0 =	sand.u32 $0x7, s0  }
0x55: {  	s9 =	sand.u32 $0x7, s9;
	s2 =	smul.u32 $0x3200, s0;
	s3 =	sadd.s32 $0xA, s0  }
0x56: {  	s0 =	sadd.s32 $0x2, s0;
	s20 =	sadd.s32 $0x2, s9;
	_ =	swait.ge [sflag:s3], $0xC80  }
0x57: {  	s10 =	smul.u32 $0x3200, s9;
	s2 =	sshrl.u32 s2, $0x2;
	[sflag:s3] =	ssyncset.done $0x0  }
0x58: {  	s8 =	rddreg [dreg:$0xa];
	s2 =	sadd.s32 $0x15A18, s2;
	[sflag:s3] =	ssyncadd.s32 $0xFFFFF380  }
0x59: {  	[tilespmem:s2], [sflag:s0] =	stream.linear.gather [hbm4b:s8+s4], $0xC80, $0x38;
	[tilespmem:$0x1BE18] =	vst v63  }
0x5a: {  	s21 =	smin.u32 s11, $0x8DF;
	s25 =	sshrl.u32 s10, $0x2;
	_ =	swait.ge [sflag:s20], $0xC80  }
0x5b: {  	s23 =	sadd.s32 $0xA, s9;
	s9 =	sadd.s32 $0x15A18, s25;
	[sflag:s20] =	ssyncset.done $0x0  }
0x5c: {  	s0 =	sshll.u32 s21, $0x4;
	s28 =	rddreg [dreg:$0xb];
	[sflag:s20] =	ssyncadd.s32 $0xFFFFF380  }
0x5d: {  	[hbm4b:s28+s4] =	stream.linear.scatter [tilespmem:s9], [sflag:s23], $0xC80, $0x38;
	[tilespmem:$0x1BE18] =	vst v63  }
0x5e: {  	v4 =	vld [tilespmem:s0+$0xFFFFB200];
	_ =	sdelay $0x3  }
0x5f: {  	vm1 =	vmmov vm0  }
0x60: {  	p0 =	por $0x1, $0x1;
	vm2 =	vge.s32 v4, v0;
	vm3 =	vlt.s32 v4, v1;
	v5 =	vsub.s32 v4, v0  }
0x61: {  	vm1 =	vmneg @p0 vm1;
	vm2 =	vmand vm2, vm3;
	vm3 =	vgt.s32 v5, $0x0  }
0x62: {  	vm2 =	vmand vm1, vm2;
	v5 =	vnsel vm3, $0x0, v5  }
0x63: {  	v5 =	vmin.u32 v5, $0x7A11;
	_ =	sdelay $0x4  }
0x64: {  	v5 =	vld.idx.msk [tilespmem:v5+s16+$0x0], vm2;
	_ =	sdelay $0x2  }
0x65: {  	s0 =	sadd.s32 $0xFFFFB200, s0  }
0x66: {  	v6 =	vor.u32 s0, v2  }
0x67: {  	vm3 =	veq.s32 v5, v6  }
0x68: {  	vm2 =	vmand vm3, vm2  }
0x69: {  	v5 =	vsel vm2, $0x1, v3  }
0x6a: {  	(xrf0) =	vadd.scan.msk.s32 $0xffff, v5;
	_ =	sdelay $0x1  }
0x6b: {  	s9 =	simm.s32 $0x0  }
0x6c: {  	v5 =	vmov s9  }
0x6d: {  	v5 =	vadd.s32 $0xFFFFFFFF, v5  }
0x6e: {  	v5 =	vbroadcast v5, $0x0  }
0x6f: {  	v7, _, _ =	vpop (xrf0)  }
0x70: {  	v5 =	vadd.s32 v7, v5  }
0x71: {  	vm3 =	vgt.s32 v5, $0x0  }
0x72: {  	v8 =	vnsel vm3, $0x0, v5  }
0x73: {  	v8 =	vmin.u32 v8, $0x3FFF;
	_ =	sdelay $0x4  }
0x74: {  	s29 =	smin.u32 s11, $0x8DE;
	(v2sf) =	vpush v7, $0xF;
	[tilespmem:v8+s17+$0x0] =	vst.idx.msk vm2, v4  }
0x75: {  	s0 =	sshll.u32 s29, $0x4;
	[tilespmem:v8+s18+$0x0] =	vst.idx.msk vm2, v6  }
0x76: {  	v7 =	vld [tilespmem:s0+$0xFFFFB210];
	_ =	sdelay $0x4  }
0x77: {  	vm3 =	vge.s32 v7, v0;
	vm4 =	vlt.s32 v7, v1;
	v8 =	vsub.s32 v7, v0  }
0x78: {  	vm3 =	vmand vm3, vm4;
	vm12 =	vgt.s32 v8, $0x0  }
0x79: {  	vm3 =	vmand vm1, vm3;
	v8 =	vnsel vm12, $0x0, v8  }
0x7a: {  	v8 =	vmin.u32 v8, $0x7A11;
	_ =	sdelay $0x4  }
0x7b: {  	s10 =	spop (v2sf);
	v8 =	vld.idx.msk [tilespmem:v8+s16+$0x0], vm3  }
0x7c: {  	s31 =	sadd.s32 $0x0, s10  }
0x7d: {  	s12 =	sadd.s32 $0xFFFFFFFF, s31  }
0x7e: {  	s0 =	sadd.s32 $0xFFFFB210, s0;
	vm13 =	veq.s32 v5, s12  }
0x7f: {  	v5 =	vor.u32 s0, v2;
	vm2 =	vmand vm2, vm13  }
0x80: {  	v4 =	vnsel vm2, $0x0, v4;
	vm14 =	veq.s32 v8, v5  }
0x81: {  	v6 =	vnsel vm2, $0x0, v6;
	(xrf0) =	vadd.scan.msk.s32 $0xffff, v4;
	vm2 =	vmand vm14, vm3  }
0x82: {  	(xrf0) =	vadd.scan.msk.s32 $0xffff, v6;
	v4 =	vsel vm2, $0x1, v3  }
0x83: {  	(xrf0) =	vadd.scan.msk.s32 $0xffff, v4;
	_ =	sdelay $0x2  }
0x84: {  	v4 =	vmov s31  }
0x85: {  	v6, _, _ =	vpop (xrf0);
	v4 =	vadd.s32 $0xFFFFFFFF, v4  }
0x86: {  	v8, _, _ =	vpop (xrf0);
	v4 =	vbroadcast v4, $0x0  }
0x87: {  	v9, _, _ =	vpop (xrf0)  }
0x88: {  	v4 =	vadd.s32 v9, v4  }
0x89: {  	vm3 =	vgt.s32 v4, $0x0  }
0x8a: {  	v10 =	vnsel vm3, $0x0, v4  }
0x8b: {  	v10 =	vmin.u32 v10, $0x3FFF;
	_ =	sdelay $0x4  }
0x8c: {  	s13 =	smin.u32 s11, $0x8DD;
	(v2sf) =	vpush v9, $0xF;
	[tilespmem:v10+s17+$0x0] =	vst.idx.msk vm2, v7  }
0x8d: {  	s0 =	sshll.u32 s13, $0x4;
	[tilespmem:v10+s18+$0x0] =	vst.idx.msk vm2, v5  }
0x8e: {  	v59 =	vld [tilespmem:s0+$0xFFFFB220];
	_ =	sdelay $0x4  }
0x8f: {  	vm3 =	vge.s32 v59, v0;
	vm15 =	vlt.s32 v59, v1;
	v60 =	vsub.s32 v59, v0  }
0x90: {  	vm3 =	vmand vm3, vm15;
	vm8 =	vgt.s32 v60, $0x0  }
0x91: {  	vm3 =	vmand vm1, vm3;
	v10 =	vnsel vm8, $0x0, v60  }
0x92: {  	v10 =	vmin.u32 v10, $0x7A11;
	_ =	sdelay $0x4  }
0x93: {  	s25 =	spop (v2sf);
	v10 =	vld.idx.msk [tilespmem:v10+s16+$0x0], vm3  }
0x94: {  	s2 =	sadd.s32 s31, s25  }
0x95: {  	s14 =	sadd.s32 $0xFFFFFFFF, s2  }
0x96: {  	s0 =	sadd.s32 $0xFFFFB220, s0;
	vm9 =	veq.s32 v4, s14  }
0x97: {  	v4 =	vor.u32 s0, v2;
	vm2 =	vmand vm2, vm9  }
0x98: {  	v5 =	vnsel vm2, $0x0, v5;
	vm10 =	veq.s32 v10, v4  }
0x99: {  	v7 =	vnsel vm2, $0x0, v7;
	(xrf0) =	vadd.scan.msk.s32 $0xffff, v5;
	vm2 =	vmand vm10, vm3  }
0x9a: {  	(xrf0) =	vadd.scan.msk.s32 $0xffff, v7;
	v5 =	vsel vm2, $0x1, v3  }
0x9b: {  	(xrf0) =	vadd.scan.msk.s32 $0xffff, v5;
	_ =	sdelay $0x2  }
0x9c: {  	v5 =	vmov s2  }
0x9d: {  	v7, _, _ =	vpop (xrf0);
	v5 =	vadd.s32 $0xFFFFFFFF, v5  }
0x9e: {  	v61, _, _ =	vpop (xrf0);
	v5 =	vbroadcast v5, $0x0  }
0x9f: {  	(v2sf) =	vpush v6, $0xF;
	v6, _, _ =	vpop (xrf0)  }
0xa0: {  	(v2sf) =	vpush v7, $0xF;
	v5 =	vadd.s32 v6, v5  }
0xa1: {  	(v2sf) =	vpush v61, $0xF;
	vm3 =	vgt.s32 v5, $0x0  }
0xa2: {  	(v2sf) =	vpush v6, $0xF;
	v6 =	vnsel vm3, $0x0, v5  }
0xa3: {  	v6 =	vmin.u32 v6, $0x3FFF;
	_ =	sdelay $0x4  }
0xa4: {  	s15 =	smin.u32 s11, $0x8DC;
	[tilespmem:v6+s17+$0x0] =	vst.idx.msk vm2, v59  }
0xa5: {  	s11 =	sshll.u32 s15, $0x4;
	[tilespmem:v6+s18+$0x0] =	vst.idx.msk vm2, v4  }
0xa6: {  	v6 =	vld [tilespmem:s11+$0xFFFFB230];
	_ =	sdelay $0x3  }
0xa7: {  	s3 =	spop (v2sf)  }
0xa8: {  	s29 =	spop (v2sf);
	vm3 =	vge.s32 v6, v0;
	vm11 =	vlt.s32 v6, v1;
	v7 =	vsub.s32 v6, v0  }
0xa9: {  	s0 =	spop (v2sf);
	vm3 =	vmand vm3, vm11;
	vm12 =	vgt.s32 v7, $0x0  }
0xaa: {  	s31 =	spop (v2sf);
	vm1 =	vmand vm1, vm3;
	v7 =	vnsel vm12, $0x0, v7  }
0xab: {  	s2 =	sadd.s32 s2, s31;
	v7 =	vmin.u32 v7, $0x7A11  }
0xac: {  	s12 =	sadd.s32 $0xFFFFFFFF, s2  }
0xad: {  	vm3 =	veq.s32 v5, s12  }
0xae: {  	vm2 =	vmand vm2, vm3  }
0xaf: {  	v5 =	vnsel vm2, $0x0, v59  }
0xb0: {  	(xrf0) =	vadd.scan.msk.s32 $0xffff, v5;
	v5 =	vld.idx.msk [tilespmem:v7+s16+$0x0], vm1  }
0xb1: {  	v4 =	vnsel vm2, $0x0, v4  }
0xb2: {  	(xrf0) =	vadd.scan.msk.s32 $0xffff, v4  }
0xb3: {  	s11 =	sadd.s32 $0xFFFFB230, s11  }
0xb4: {  	v4 =	vor.u32 s11, v2  }
0xb5: {  	vm2 =	veq.s32 v5, v4  }
0xb6: {  	vm2 =	vmand vm2, vm1  }
0xb7: {  	v5, _, _ =	vpop (xrf0);
	v7 =	vsel vm2, $0x1, v3  }
0xb8: {  	(v2sf) =	vpush v5, $0xF;
	v5, _, _ =	vpop (xrf0);
	(xrf0) =	vadd.scan.msk.s32 $0xffff, v7  }
0xb9: {  	(v2sf) =	vpush v5, $0xF;
	_ =	sdelay $0x1  }
0xba: {  	v5 =	vmov s2  }
0xbb: {  	v5 =	vadd.s32 $0xFFFFFFFF, v5  }
0xbc: {  	v5 =	vbroadcast v5, $0x0  }
0xbd: {  	v7, _, _ =	vpop (xrf0)  }
0xbe: {  	v62 =	vadd.s32 v7, v5  }
0xbf: {  	vm1 =	vgt.s32 v62, $0x0  }
0xc0: {  	v5 =	vnsel vm1, $0x0, v62  }
0xc1: {  	v5 =	vmin.u32 v5, $0x3FFF;
	_ =	sdelay $0x1  }
0xc2: {  	s19 =	simm.s32 $0x139  }
0xc3: {  	s20 =	sand.u32 $0x7, s19  }
0xc4: {  	s19 =	simm.s32 $0x135;
	s15 =	sadd.s32 $0x2, s20  }
0xc5: {  	s19 =	sand.u32 $0x7, s19;
	s14 =	smul.u32 $0x3200, s20;
	s21 =	spop (v2sf);
	[tilespmem:v5+s17+$0x0] =	vst.idx.msk vm2, v6  }
0xc6: {  	s13 =	sadd.s32 $0xA, s20;
	s20 =	smul.u32 $0x3200, s19;
	(v2sf) =	vpush v7, $0xF;
	s23 =	spop (v2sf);
	[tilespmem:v5+s18+$0x0] =	vst.idx.msk vm2, v4  }
0xc7: {  	s14 =	sshrl.u32 s14, $0x2;
	_ =	swait.ge [sflag:s13], $0xC80  }
0xc8: {  	s20 =	sshrl.u32 s20, $0x2;
	s14 =	sadd.s32 $0x15A18, s14;
	[sflag:s13] =	ssyncset.done $0x0  }
0xc9: {  	s12 =	sadd.s32 $0x190, s8;
	[sflag:s13] =	ssyncadd.s32 $0xFFFFF380;
	s13 =	sadd.s32 $0x2, s19  }
0xca: {  	[tilespmem:s14], [sflag:s15] =	stream.linear.gather [hbm4b:s12+s4], $0xC80, $0x38;
	[tilespmem:$0x1BE18] =	vst v63  }
0xcb: {  	s20 =	sadd.s32 $0x15A18, s20;
	s11 =	simm.s32 $0x4E4;
	_ =	swait.ge [sflag:s13], $0xC80  }
0xcc: {  	s8 =	smin.u32 s11, $0x8DF;
	s19 =	sadd.s32 $0xA, s19;
	[sflag:s13] =	ssyncset.done $0x0  }
0xcd: {  	s15 =	sadd.s32 $0x190, s28;
	s14 =	sshll.u32 s8, $0x4;
	[sflag:s13] =	ssyncadd.s32 $0xFFFFF380  }
0xce: {  	[hbm4b:s15+s4] =	stream.linear.scatter [tilespmem:s20], [sflag:s19], $0xC80, $0x38;
	[tilespmem:$0x1BE18] =	vst v63  }
0xcf: {  	v5 =	vld [tilespmem:s14+$0xFFFFB200];
	_ =	sdelay $0x3  }
0xd0: {  	vm1 =	vmmov vm0;
	(v2sf) =	vpush v8, $0xF  }
0xd1: {  	p0 =	por $0x1, $0x1;
	vm3 =	vge.s32 v5, v0;
	vm13 =	vlt.s32 v5, v1;
	v7 =	vsub.s32 v5, v0  }
0xd2: {  	vm1 =	vmneg @p0 vm1;
	s28 =	spop (v2sf);
	vm3 =	vmand vm3, vm13;
	vm14 =	vgt.s32 v7, $0x0  }
0xd3: {  	s30 =	sadd.s32 s2, s28;
	vm3 =	vmand vm1, vm3;
	v7 =	vnsel vm14, $0x0, v7  }
0xd4: {  	s2 =	sadd.s32 $0xFFFFFFFF, s30;
	v7 =	vmin.u32 v7, $0x7A11  }
0xd5: {  	vm15 =	veq.s32 v62, s2  }
0xd6: {  	vm2 =	vmand vm2, vm15  }
0xd7: {  	v6 =	vnsel vm2, $0x0, v6  }
0xd8: {  	v4 =	vnsel vm2, $0x0, v4;
	(xrf0) =	vadd.scan.msk.s32 $0xffff, v6  }
0xd9: {  	(xrf0) =	vadd.scan.msk.s32 $0xffff, v4;
	v6 =	vld.idx.msk [tilespmem:v7+s16+$0x0], vm3;
	_ =	sdelay $0x2  }
0xda: {  	s20 =	sadd.s32 $0xFFFFB200, s14  }
0xdb: {  	v4 =	vor.u32 s20, v2  }
0xdc: {  	vm2 =	veq.s32 v6, v4;
	v6, _, _ =	vpop (xrf0)  }
0xdd: {  	(v2sf) =	vpush v6, $0xF;
	v8, _, _ =	vpop (xrf0)  }
0xde: {  	s2 =	spop (v2sf);
	(v2sf) =	vpush v8, $0xF;
	_ =	sdelay $0x7  }
0xdf: {  	p0 =	sgt.s32 s10, $0x0;
	s10 =	simm.s32 $0x0;
	vm2 =	vmand vm2, vm3  }
0xe0: {  	p1 =	sgt.s32 s25, $0x0;
	s10 =	smov.u32 @p0 s3;
	v63 =	vsel vm2, $0x1, v3  }
0xe1: {  	s10 =	smov.u32 @p1 s0;
	v7 =	vmov s30;
	s9 =	smov.u32 @p0 s2;
	(xrf0) =	vadd.scan.msk.s32 $0xffff, v63  }
0xe2: {  	s19 =	simm.s32 $0x13A;
	s9 =	smov.u32 @p1 s29;
	p1 =	sgt.s32 s31, $0x0;
	v6 =	vadd.s32 $0xFFFFFFFF, v7  }
.LBB2_4:
0xe3: {  	p0 =	sne.s32 s19, $0x270  }
0xe4: {  	s9 =	smov.u32 @p1 s23;
	s25 =	smov.u32 s19;
	s19 =	sadd.s32 $0x1, s19  }
0xe5: {  	v6 =	vbroadcast v6, $0x0;
	s10 =	smov.u32 @p1 s21;
	p1 =	sgt.s32 s28, $0x0;
	s0 =	spop (v2sf)  }
0xe6: {  	s10 =	smov.u32 @p1 s0;
	s0 =	spop (v2sf)  }
0xe7: {  	v7, _, _ =	vpop (xrf0);
	s9 =	smov.u32 @p1 s0  }
0xe8: {  	v6 =	vadd.s32 v7, v6;
	(v2sf) =	vpush v7, $0xF  }
0xe9: {  	vm3 =	vgt.s32 v6, $0x0  }
0xea: {  	v7 =	vnsel vm3, $0x0, v6  }
0xeb: {  	v7 =	vmin.u32 v7, $0x3FFF;
	_ =	sdelay $0x3  }
0xec: {  	s0 =	smin.u32 s11, $0x8DE  }
0xed: {  	s0 =	sshll.u32 s0, $0x4;
	[tilespmem:v7+s17+$0x0] =	vst.idx.msk vm2, v5  }
0xee: {  	s2 =	sadd.s32 $0xFFFFB210, s0;
	[tilespmem:v7+s18+$0x0] =	vst.idx.msk vm2, v4  }
0xef: {  	v7 =	vld [tilespmem:s0+$0xFFFFB210];
	_ =	sdelay $0x4  }
0xf0: {  	vm3 =	vge.s32 v7, v0;
	vm4 =	vlt.s32 v7, v1;
	v8 =	vsub.s32 v7, v0;
	s21 =	spop (v2sf)  }
0xf1: {  	s0 =	sadd.s32 s30, s21;
	vm3 =	vmand vm3, vm4;
	vm4 =	vgt.s32 v8, $0x0  }
0xf2: {  	s3 =	sadd.s32 $0xFFFFFFFF, s0;
	vm3 =	vmand vm1, vm3;
	v8 =	vnsel vm4, $0x0, v8;
	v9 =	vmov s0  }
0xf3: {  	vm4 =	veq.s32 v6, s3;
	v6 =	vmin.u32 v8, $0x7A11;
	v8 =	vadd.s32 $0xFFFFFFFF, v9  }
0xf4: {  	vm2 =	vmand vm2, vm4  }
0xf5: {  	v5 =	vnsel vm2, $0x0, v5;
	v4 =	vnsel vm2, $0x0, v4  }
0xf6: {  	(xrf0) =	vadd.scan.msk.s32 $0xffff, v5  }
0xf7: {  	(xrf0) =	vadd.scan.msk.s32 $0xffff, v4  }
0xf8: {  	v5 =	vld.idx.msk [tilespmem:v6+s16+$0x0], vm3;
	_ =	sdelay $0x3  }
0xf9: {  	v6 =	vor.u32 s2, v2;
	v9, _, _ =	vpop (xrf0)  }
0xfa: {  	v4, _, _ =	vpop (xrf0)  }
0xfb: {  	vm2 =	veq.s32 v5, v6  }
0xfc: {  	vm2 =	vmand vm2, vm3  }
0xfd: {  	v5 =	vsel vm2, $0x1, v3  }
0xfe: {  	(xrf0) =	vadd.scan.msk.s32 $0xffff, v5;
	_ =	sdelay $0x3  }
0xff: {  	v5 =	vbroadcast v8, $0x0;
	_ =	sdelay $0x1  }
0x100: {  	v8, _, _ =	vpop (xrf0)  }
0x101: {  	v5 =	vadd.s32 v8, v5;
	(v2sf) =	vpush v8, $0xF  }
0x102: {  	vm3 =	vgt.s32 v5, $0x0  }
0x103: {  	v8 =	vnsel vm3, $0x0, v5  }
0x104: {  	v8 =	vmin.u32 v8, $0x3FFF;
	_ =	sdelay $0x3  }
0x105: {  	s2 =	smin.u32 s11, $0x8DD  }
0x106: {  	s2 =	sshll.u32 s2, $0x4;
	[tilespmem:v8+s17+$0x0] =	vst.idx.msk vm2, v7  }
0x107: {  	s3 =	sadd.s32 $0xFFFFB220, s2;
	[tilespmem:v8+s18+$0x0] =	vst.idx.msk vm2, v6  }
0x108: {  	v8 =	vld [tilespmem:s2+$0xFFFFB220];
	_ =	sdelay $0x4  }
0x109: {  	vm3 =	vge.s32 v8, v0;
	vm4 =	vlt.s32 v8, v1;
	v10 =	vsub.s32 v8, v0;
	s2 =	spop (v2sf)  }
0x10a: {  	s0 =	sadd.s32 s0, s2;
	vm3 =	vmand vm3, vm4;
	vm4 =	vgt.s32 v10, $0x0  }
0x10b: {  	s13 =	sadd.s32 $0xFFFFFFFF, s0;
	vm3 =	vmand vm1, vm3;
	v10 =	vnsel vm4, $0x0, v10;
	v11 =	vmov s0  }
0x10c: {  	vm4 =	veq.s32 v5, s13;
	v5 =	vmin.u32 v10, $0x7A11;
	v10 =	vadd.s32 $0xFFFFFFFF, v11  }
0x10d: {  	vm2 =	vmand vm2, vm4  }
0x10e: {  	v7 =	vnsel vm2, $0x0, v7;
	v6 =	vnsel vm2, $0x0, v6  }
0x10f: {  	(xrf0) =	vadd.scan.msk.s32 $0xffff, v6  }
0x110: {  	(xrf0) =	vadd.scan.msk.s32 $0xffff, v7  }
0x111: {  	v5 =	vld.idx.msk [tilespmem:v5+s16+$0x0], vm3;
	_ =	sdelay $0x3  }
0x112: {  	v6 =	vor.u32 s3, v2;
	(v2sf) =	vpush v9, $0xF;
	v7, _, _ =	vpop (xrf0)  }
0x113: {  	v9, _, _ =	vpop (xrf0);
	(v2sf) =	vpush v7, $0xF  }
0x114: {  	vm2 =	veq.s32 v5, v6;
	(v2sf) =	vpush v9, $0xF  }
0x115: {  	vm2 =	vmand vm2, vm3  }
0x116: {  	v5 =	vsel vm2, $0x1, v3  }
0x117: {  	(xrf0) =	vadd.scan.msk.s32 $0xffff, v5;
	_ =	sdelay $0x3  }
0x118: {  	v5 =	vbroadcast v10, $0x0;
	_ =	sdelay $0x1  }
0x119: {  	v7, _, _ =	vpop (xrf0)  }
0x11a: {  	v5 =	vadd.s32 v7, v5;
	(v2sf) =	vpush v7, $0xF  }
0x11b: {  	vm3 =	vgt.s32 v5, $0x0  }
0x11c: {  	v7 =	vnsel vm3, $0x0, v5  }
0x11d: {  	v7 =	vmin.u32 v7, $0x3FFF;
	s3 =	spop (v2sf)  }
0x11e: {  	p1 =	sgt.s32 s21, $0x0;
	s29 =	spop (v2sf)  }
0x11f: {  	p2 =	sgt.s32 s2, $0x0;
	s10 =	smov.u32 @p1 s3;
	s2 =	spop (v2sf)  }
0x120: {  	s10 =	smov.u32 @p2 s2  }
0x121: {  	s2 =	smin.u32 s11, $0x8DC  }
0x122: {  	s2 =	sshll.u32 s2, $0x4;
	[tilespmem:v7+s17+$0x0] =	vst.idx.msk vm2, v8  }
0x123: {  	s3 =	sadd.s32 $0xFFFFB230, s2;
	[tilespmem:v7+s18+$0x0] =	vst.idx.msk vm2, v6  }
0x124: {  	v7 =	vld [tilespmem:s2+$0xFFFFB230];
	_ =	sdelay $0x4  }
0x125: {  	vm3 =	vge.s32 v7, v0;
	vm4 =	vlt.s32 v7, v1;
	v9 =	vsub.s32 v7, v0;
	s31 =	spop (v2sf)  }
0x126: {  	s0 =	sadd.s32 s0, s31;
	vm3 =	vmand vm3, vm4;
	vm4 =	vgt.s32 v9, $0x0  }
0x127: {  	s2 =	sadd.s32 $0xFFFFFFFF, s0;
	vm1 =	vmand vm1, vm3;
	v9 =	vnsel vm4, $0x0, v9;
	v10 =	vmov s0  }
0x128: {  	vm3 =	veq.s32 v5, s2;
	v5 =	vmin.u32 v9, $0x7A11;
	v9 =	vadd.s32 $0xFFFFFFFF, v10  }
0x129: {  	vm2 =	vmand vm2, vm3  }
0x12a: {  	v8 =	vnsel vm2, $0x0, v8;
	v6 =	vnsel vm2, $0x0, v6  }
0x12b: {  	(xrf0) =	vadd.scan.msk.s32 $0xffff, v8  }
0x12c: {  	(xrf0) =	vadd.scan.msk.s32 $0xffff, v6  }
0x12d: {  	v5 =	vld.idx.msk [tilespmem:v5+s16+$0x0], vm1;
	_ =	sdelay $0x3  }
0x12e: {  	v8 =	vor.u32 s3, v2;
	v6, _, _ =	vpop (xrf0)  }
0x12f: {  	(v2sf) =	vpush v6, $0xF;
	v6, _, _ =	vpop (xrf0)  }
0x130: {  	vm2 =	veq.s32 v5, v8;
	(v2sf) =	vpush v6, $0xF  }
0x131: {  	vm1 =	vmand vm2, vm1  }
0x132: {  	v5 =	vsel vm1, $0x1, v3  }
0x133: {  	(xrf0) =	vadd.scan.msk.s32 $0xffff, v5;
	_ =	sdelay $0x3  }
0x134: {  	v5 =	vbroadcast v9, $0x0;
	_ =	sdelay $0x1  }
0x135: {  	v6, _, _ =	vpop (xrf0)  }
0x136: {  	v9 =	vadd.s32 v6, v5;
	(v2sf) =	vpush v6, $0xF  }
0x137: {  	vm2 =	vgt.s32 v9, $0x0  }
0x138: {  	v5 =	vnsel vm2, $0x0, v9  }
0x139: {  	v5 =	vmin.u32 v5, $0x3FFF  }
0x13a: {  	s21 =	spop (v2sf)  }
0x13b: {  	s23 =	spop (v2sf);
	_ =	sdelay $0x1  }
0x13c: {  	s15 =	sadd.s32 $0x190, s15;
	s2 =	sand.u32 $0x7, s25  }
0x13d: {  	s11 =	sadd.s32 $0x4, s11;
	s13 =	smul.u32 $0x3200, s2;
	s3 =	sadd.s32 $0xA, s2;
	[tilespmem:v5+s17+$0x0] =	vst.idx.msk vm1, v7  }
0x13e: {  	s12 =	sadd.s32 $0x190, s12;
	s14 =	smin.u32 s11, $0x8DF;
	s2 =	sadd.s32 $0x2, s2;
	[tilespmem:v5+s18+$0x0] =	vst.idx.msk vm1, v8  }
0x13f: {  	s20 =	sadd.s32 $0xFFFFFFFC, s25;
	s13 =	sshrl.u32 s13, $0x2;
	_ =	swait.ge [sflag:s3], $0xC80  }
0x140: {  	s20 =	sand.u32 $0x7, s20;
	s13 =	sadd.s32 $0x15A18, s13;
	[sflag:s3] =	ssyncset.done $0x0  }
0x141: {  	s28 =	smul.u32 $0x3200, s20;
	[sflag:s3] =	ssyncadd.s32 $0xFFFFF380;
	s3 =	sadd.s32 $0x2, s20  }
0x142: {  	[tilespmem:s13], [sflag:s2] =	stream.linear.gather [hbm4b:s12+s4], $0xC80, $0x38;
	[tilespmem:$0x1BE18] =	vst v63  }
0x143: {  	s2 =	sadd.s32 $0xA, s20;
	s13 =	sshrl.u32 s28, $0x2;
	_ =	swait.ge [sflag:s3], $0xC80  }
0x144: {  	s13 =	sadd.s32 $0x15A18, s13;
	[sflag:s3] =	ssyncset.done $0x0;
	s28 =	spop (v2sf)  }
0x145: {  	[sflag:s3] =	ssyncadd.s32 $0xFFFFF380;
	s3 =	sshll.u32 s14, $0x4;
	s30 =	sadd.s32 s0, s28  }
0x146: {  	[hbm4b:s15+s4] =	stream.linear.scatter [tilespmem:s13], [sflag:s2], $0xC80, $0x38;
	v6 =	vmov s30;
	[tilespmem:$0x1BE18] =	vst v63  }
0x147: {  	v5 =	vld [tilespmem:s3+$0xFFFFB200]  }
0x148: {  	s0 =	sadd.s32 $0xFFFFB200, s3;
	s2 =	sadd.s32 $0xFFFFFFFF, s30;
	v6 =	vadd.s32 $0xFFFFFFFF, v6  }
0x149: {  	vm2 =	veq.s32 v9, s2  }
0x14a: {  	vm1 =	vmand vm1, vm2  }
0x14b: {  	v7 =	vnsel vm1, $0x0, v7;
	v8 =	vnsel vm1, $0x0, v8  }
0x14c: {  	p3 =	slt.u32 s25, $0x238;
	(xrf0) =	vadd.scan.msk.s32 $0xffff, v7;
	vm1 =	vge.s32 v5, v0;
	vm2 =	vlt.s32 v5, v1  }
0x14d: {  	v7 =	vsub.s32 v5, v0;
	(xrf0) =	vadd.scan.msk.s32 $0xffff, v8;
	vm2 =	vmand vm1, vm2;
	vm1 =	vmmov vm0  }
0x14e: {  	vm3 =	vgt.s32 v7, $0x0;
	vm1 =	vmneg @p3 vm1  }
0x14f: {  	v7 =	vnsel vm3, $0x0, v7;
	vm2 =	vmand vm1, vm2;
	(v2sf) =	vpush v4, $0xF  }
0x150: {  	v4 =	vmin.u32 v7, $0x7A11;
	_ =	sdelay $0x1  }
0x151: {  	v7, _, _ =	vpop (xrf0)  }
0x152: {  	(v2sf) =	vpush v7, $0xF;
	v7, _, _ =	vpop (xrf0)  }
0x153: {  	(v2sf) =	vpush v7, $0xF  }
0x154: {  	v7 =	vld.idx.msk [tilespmem:v4+s16+$0x0], vm2;
	_ =	sdelay $0x3  }
0x155: {  	v4 =	vor.u32 s0, v2;
	_ =	sdelay $0x1  }
0x156: {  	vm3 =	veq.s32 v7, v4  }
.Ltmp3:
0x157: {  	vm2 =	vmand vm3, vm2;
	(pc) =	sbr.rel @p0 .LBB2_4-.Ltmp3, $4  }
0x158: {  	v7 =	vsel vm2, $0x1, v3  }
0x159: {  	(xrf0) =	vadd.scan.msk.s32 $0xffff, v7;
	s0 =	spop (v2sf)  }
0x15a: {  	s9 =	smov.u32 @p1 s0  }
0x15b: {  	p1 =	sgt.s32 s31, $0x0;
	s9 =	smov.u32 @p2 s29  }
0x15c: {  	_ =	sdelay $0x1  }
0x15d: {  	v6 =	vbroadcast v6, $0x0  }
0x15e: {  	v7, _, _ =	vpop (xrf0)  }
0x15f: {  	v6 =	vadd.s32 v7, v6  }
0x160: {  	vm3 =	vgt.s32 v6, $0x0  }
0x161: {  	v8 =	vnsel vm3, $0x0, v6  }
0x162: {  	v8 =	vmin.u32 v8, $0x3FFF;
	_ =	sdelay $0x4  }
0x163: {  	s0 =	smin.u32 s11, $0x8DE;
	(v2sf) =	vpush v7, $0xF;
	[tilespmem:v8+s17+$0x0] =	vst.idx.msk vm2, v5  }
0x164: {  	s0 =	sshll.u32 s0, $0x4;
	[tilespmem:v8+s18+$0x0] =	vst.idx.msk vm2, v4  }
0x165: {  	v35 =	vld [tilespmem:s0+$0xFFFFB210];
	_ =	sdelay $0x4  }
0x166: {  	vm3 =	vge.s32 v35, v0;
	vm4 =	vlt.s32 v35, v1;
	v36 =	vsub.s32 v35, v0  }
0x167: {  	vm3 =	vmand vm3, vm4;
	vm12 =	vgt.s32 v36, $0x0  }
0x168: {  	vm3 =	vmand vm1, vm3;
	v8 =	vnsel vm12, $0x0, v36  }
0x169: {  	v8 =	vmin.u32 v8, $0x7A11;
	_ =	sdelay $0x2  }
0x16a: {  	s2 =	spop (v2sf)  }
0x16b: {  	s29 =	spop (v2sf)  }
0x16c: {  	s19 =	spop (v2sf);
	v8 =	vld.idx.msk [tilespmem:v8+s16+$0x0], vm3  }
0x16d: {  	s31 =	sadd.s32 s30, s19  }
0x16e: {  	s3 =	sadd.s32 $0xFFFFFFFF, s31  }
0x16f: {  	s0 =	sadd.s32 $0xFFFFB210, s0;
	vm13 =	veq.s32 v6, s3  }
0x170: {  	v37 =	vor.u32 s0, v2;
	vm2 =	vmand vm2, vm13  }
0x171: {  	v5 =	vnsel vm2, $0x0, v5;
	vm14 =	veq.s32 v8, v37  }
0x172: {  	v4 =	vnsel vm2, $0x0, v4;
	(xrf0) =	vadd.scan.msk.s32 $0xffff, v5;
	vm2 =	vmand vm14, vm3  }
0x173: {  	(xrf0) =	vadd.scan.msk.s32 $0xffff, v4;
	v4 =	vsel vm2, $0x1, v3  }
0x174: {  	(xrf0) =	vadd.scan.msk.s32 $0xffff, v4;
	_ =	sdelay $0x2  }
0x175: {  	v4 =	vmov s31  }
0x176: {  	v5, _, _ =	vpop (xrf0);
	v4 =	vadd.s32 $0xFFFFFFFF, v4  }
0x177: {  	v38, _, _ =	vpop (xrf0);
	v4 =	vbroadcast v4, $0x0  }
0x178: {  	v9, _, _ =	vpop (xrf0)  }
0x179: {  	v4 =	vadd.s32 v9, v4  }
0x17a: {  	vm3 =	vgt.s32 v4, $0x0  }
0x17b: {  	v10 =	vnsel vm3, $0x0, v4  }
0x17c: {  	v10 =	vmin.u32 v10, $0x3FFF;
	_ =	sdelay $0x4  }
0x17d: {  	s3 =	smin.u32 s11, $0x8DD;
	(v2sf) =	vpush v9, $0xF;
	[tilespmem:v10+s17+$0x0] =	vst.idx.msk vm2, v35  }
0x17e: {  	s0 =	sshll.u32 s3, $0x4;
	[tilespmem:v10+s18+$0x0] =	vst.idx.msk vm2, v37  }
0x17f: {  	v39 =	vld [tilespmem:s0+$0xFFFFB220];
	_ =	sdelay $0x4  }
0x180: {  	vm3 =	vge.s32 v39, v0;
	vm15 =	vlt.s32 v39, v1;
	v40 =	vsub.s32 v39, v0  }
0x181: {  	vm3 =	vmand vm3, vm15;
	vm8 =	vgt.s32 v40, $0x0  }
0x182: {  	vm3 =	vmand vm1, vm3;
	v10 =	vnsel vm8, $0x0, v40  }
0x183: {  	v10 =	vmin.u32 v10, $0x7A11;
	_ =	sdelay $0x4  }
0x184: {  	s25 =	spop (v2sf);
	v10 =	vld.idx.msk [tilespmem:v10+s16+$0x0], vm3  }
0x185: {  	[dreg:$0xe] =	wrdreg s2;
	s2 =	sadd.s32 s31, s25  }
0x186: {  	s8 =	sadd.s32 $0xFFFFFFFF, s2  }
0x187: {  	s0 =	sadd.s32 $0xFFFFB220, s0;
	vm9 =	veq.s32 v4, s8  }
0x188: {  	v4 =	vor.u32 s0, v2;
	vm2 =	vmand vm2, vm9  }
0x189: {  	v6 =	vnsel vm2, $0x0, v37;
	vm10 =	veq.s32 v10, v4  }
0x18a: {  	v7 =	vnsel vm2, $0x0, v35;
	(xrf0) =	vadd.scan.msk.s32 $0xffff, v6;
	vm2 =	vmand vm10, vm3  }
0x18b: {  	(xrf0) =	vadd.scan.msk.s32 $0xffff, v7;
	v41 =	vsel vm2, $0x1, v3  }
0x18c: {  	(xrf0) =	vadd.scan.msk.s32 $0xffff, v41;
	_ =	sdelay $0x2  }
0x18d: {  	v42 =	vmov s2  }
0x18e: {  	v6 =	vadd.s32 $0xFFFFFFFF, v42;
	v43, _, _ =	vpop (xrf0)  }
0x18f: {  	v6 =	vbroadcast v6, $0x0;
	v44, _, _ =	vpop (xrf0)  }
0x190: {  	v11, _, _ =	vpop (xrf0)  }
0x191: {  	v6 =	vadd.s32 v11, v6  }
0x192: {  	vm3 =	vgt.s32 v6, $0x0  }
0x193: {  	v12 =	vnsel vm3, $0x0, v6  }
0x194: {  	v12 =	vmin.u32 v12, $0x3FFF;
	_ =	sdelay $0x1  }
0x195: {  	(v2sf) =	vpush v5, $0xF  }
0x196: {  	(v2sf) =	vpush v43, $0xF  }
0x197: {  	(v2sf) =	vpush v44, $0xF  }
0x198: {  	s12 =	smin.u32 s11, $0x8DC;
	(v2sf) =	vpush v11, $0xF;
	[tilespmem:v12+s17+$0x0] =	vst.idx.msk vm2, v39  }
0x199: {  	s13 =	sshll.u32 s12, $0x4;
	[tilespmem:v12+s18+$0x0] =	vst.idx.msk vm2, v4  }
0x19a: {  	v5 =	vld [tilespmem:s13+$0xFFFFB230];
	_ =	sdelay $0x4  }
0x19b: {  	vm3 =	vge.s32 v5, v0;
	vm11 =	vlt.s32 v5, v1;
	v45 =	vsub.s32 v5, v0  }
0x19c: {  	vm3 =	vmand vm3, vm11;
	vm12 =	vgt.s32 v45, $0x0  }
0x19d: {  	vm1 =	vmand vm1, vm3;
	v7 =	vnsel vm12, $0x0, v45  }
0x19e: {  	v7 =	vmin.u32 v7, $0x7A11;
	_ =	sdelay $0x1  }
0x19f: {  	s31 =	spop (v2sf)  }
0x1a0: {  	[dreg:$0xd] =	wrdreg s29;
	s29 =	spop (v2sf)  }
0x1a1: {  	s30 =	spop (v2sf)  }
0x1a2: {  	s0 =	spop (v2sf);
	v7 =	vld.idx.msk [tilespmem:v7+s16+$0x0], vm1  }
0x1a3: {  	s14 =	sadd.s32 s2, s0  }
0x1a4: {  	s2 =	sadd.s32 $0xFFFFFFFF, s14  }
0x1a5: {  	s3 =	sadd.s32 $0xFFFFB230, s13;
	vm3 =	veq.s32 v6, s2  }
0x1a6: {  	v46 =	vor.u32 s3, v2;
	vm2 =	vmand vm2, vm3  }
0x1a7: {  	v9 =	vnsel vm2, $0x0, v39;
	vm3 =	veq.s32 v7, v46  }
0x1a8: {  	v4 =	vnsel vm2, $0x0, v4;
	(xrf0) =	vadd.scan.msk.s32 $0xffff, v9;
	vm1 =	vmand vm3, vm1  }
0x1a9: {  	(xrf0) =	vadd.scan.msk.s32 $0xffff, v4;
	v4 =	vsel vm1, $0x1, v3  }
0x1aa: {  	(xrf0) =	vadd.scan.msk.s32 $0xffff, v4;
	_ =	sdelay $0x3  }
0x1ab: {  	v4, _, _ =	vpop (xrf0)  }
0x1ac: {  	(v2sf) =	vpush v4, $0xF;
	v4, _, _ =	vpop (xrf0)  }
0x1ad: {  	(v2sf) =	vpush v4, $0xF;
	v4, _, _ =	vpop (xrf0)  }
0x1ae: {  	(v2sf) =	vpush v4, $0xF;
	_ =	sdelay $0xc  }
0x1af: {  	v47 =	vmov s14;
	s20 =	spop (v2sf)  }
0x1b0: {  	v7 =	vadd.s32 $0xFFFFFFFF, v47;
	s3 =	spop (v2sf)  }
0x1b1: {  	v7 =	vbroadcast v7, $0x0;
	s2 =	spop (v2sf)  }
0x1b2: {  	s11 =	sadd.s32 s14, s2  }
0x1b3: {  	v4 =	vadd.s32 v4, v7;
	s13 =	sadd.s32 $0xFFFFFFFF, s11  }
0x1b4: {  	vm2 =	veq.s32 v4, s13  }
0x1b5: {  	vm2 =	vmand vm1, vm2  }
0x1b6: {  	v48 =	vnsel vm2, $0x0, v5  }
0x1b7: {  	v49 =	vnsel vm2, $0x0, v46;
	(xrf0) =	vadd.scan.msk.s32 $0xffff, v48  }
0x1b8: {  	(xrf0) =	vadd.scan.msk.s32 $0xffff, v49;
	_ =	sdelay $0x4  }
0x1b9: {  	(v2sf) =	vpush v38, $0xF;
	v7, _, _ =	vpop (xrf0)  }
0x1ba: {  	(v2sf) =	vpush v7, $0xF;
	v50, _, _ =	vpop (xrf0)  }
0x1bb: {  	(v2sf) =	vpush v50, $0xF;
	_ =	sdelay $0x6  }
0x1bc: {  	vm2 =	vgt.s32 v4, $0x0  }
0x1bd: {  	v4 =	vnsel vm2, $0x0, v4  }
0x1be: {  	v4 =	vmin.u32 v4, $0x3FFF;
	_ =	sdelay $0x3  }
0x1bf: {  	s8 =	spop (v2sf)  }
0x1c0: {  	[tilespmem:v4+s17+$0x0] =	vst.idx.msk vm1, v5;
	s14 =	spop (v2sf)  }
0x1c1: {  	s12 =	simm.s32 $0x7;
	[tilespmem:v4+s18+$0x0] =	vst.idx.msk vm1, v46;
	s13 =	spop (v2sf)  }
0x1c2: {  	_ =	swait.ge [sflag:s12], $0xC80  }
0x1c3: {  	[sflag:s12] =	ssyncset.done $0x0  }
0x1c4: {  	s15 =	simm.s32 $0x19898;
	[sflag:s12] =	ssyncadd.s32 $0xFFFFF380;
	s12 =	rddreg [dreg:$0x4]  }
0x1c5: {  	[hbm4b:s12+s4] =	stream.linear.scatter [tilespmem:s15], [sflag:$0xF], $0xC80, $0x38;
	[tilespmem:$0x1BE18] =	vst v63  }
0x1c6: {  	s15 =	simm.s32 $0x8  }
0x1c7: {  	_ =	swait.ge [sflag:s15], $0xC80  }
0x1c8: {  	[sflag:s15] =	ssyncset.done $0x0  }
0x1c9: {  	s12 =	rddreg [dreg:$0x5];
	[sflag:s15] =	ssyncadd.s32 $0xFFFFF380;
	s15 =	simm.s32 $0x1A518  }
0x1ca: {  	[hbm4b:s12+s4] =	stream.linear.scatter [tilespmem:s15], [sflag:$0x10], $0xC80, $0x38;
	[tilespmem:$0x1BE18] =	vst v63  }
0x1cb: {  	s15 =	simm.s32 $0x9  }
0x1cc: {  	_ =	swait.ge [sflag:s15], $0xC80  }
0x1cd: {  	[sflag:s15] =	ssyncset.done $0x0  }
0x1ce: {  	s12 =	rddreg [dreg:$0x6];
	[sflag:s15] =	ssyncadd.s32 $0xFFFFF380;
	s15 =	simm.s32 $0x1B198  }
0x1cf: {  	[hbm4b:s12+s4] =	stream.linear.scatter [tilespmem:s15], [sflag:$0x11], $0xC80, $0x38;
	[tilespmem:$0x1BE18] =	vst v63  }
0x1d0: {  	s15 =	simm.s32 $0x2  }
0x1d1: {  	_ =	swait.ge [sflag:s15], $0xC80  }
0x1d2: {  	[sflag:s15] =	ssyncset.done $0x0  }
0x1d3: {  	s12 =	rddreg [dreg:$0x7];
	[sflag:s15] =	ssyncadd.s32 $0xFFFFF380;
	s15 =	simm.s32 $0x15A18  }
0x1d4: {  	[hbm4b:s12+s4] =	stream.linear.scatter [tilespmem:s15], [sflag:$0xA], $0xC80, $0x38;
	[tilespmem:$0x1BE18] =	vst v63  }
0x1d5: {  	s15 =	simm.s32 $0xB  }
0x1d6: {  	_ =	swait.ge [sflag:s15], $0xC80  }
0x1d7: {  	[sflag:s15] =	ssyncset.done $0x0  }
0x1d8: {  	[sflag:s15] =	ssyncadd.s32 $0xFFFFF380;
	s15 =	simm.s32 $0xC  }
0x1d9: {  	_ =	swait.ge [sflag:s15], $0xC80  }
0x1da: {  	[sflag:s15] =	ssyncset.done $0x0  }
0x1db: {  	[sflag:s15] =	ssyncadd.s32 $0xFFFFF380;
	s15 =	simm.s32 $0xD  }
0x1dc: {  	_ =	swait.ge [sflag:s15], $0xC80  }
0x1dd: {  	[sflag:s15] =	ssyncset.done $0x0  }
0x1de: {  	[sflag:s15] =	ssyncadd.s32 $0xFFFFF380;
	s15 =	simm.s32 $0xE  }
0x1df: {  	_ =	swait.ge [sflag:s15], $0xC80  }
0x1e0: {  	s9 =	smov.u32 @p1 s23;
	s10 =	smov.u32 @p1 s21;
	[sflag:s15] =	ssyncset.done $0x0  }
0x1e1: {  	p0 =	sgt.s32 s28, $0x0;
	s28 =	simm.s32 $0xF;
	[sflag:s15] =	ssyncadd.s32 $0xFFFFF380  }
0x1e2: {  	p2 =	sgt.s32 s19, $0x0;
	p1 =	sgt.s32 s25, $0x0;
	_ =	swait.ge [sflag:s28], $0xC80  }
0x1e3: {  	s19 =	sadd.s32 $0x10, s11;
	s15 =	rddreg [dreg:$0xe];
	[sflag:s28] =	ssyncset.done $0x0  }
0x1e4: {  	s12 =	rddreg [dreg:$0xd];
	s10 =	smov.u32 @p0 s15;
	[sflag:s28] =	ssyncadd.s32 $0xFFFFF380  }
0x1e5: {  	s9 =	smov.u32 @p0 s12;
	s10 =	smov.u32 @p2 s31;
	s31 =	simm.s32 $0x10  }
0x1e6: {  	p0 =	sgt.s32 s0, $0x0;
	s12 =	sadd.s32 $0x7F, s11;
	_ =	swait.ge [sflag:s31], $0xC80  }
0x1e7: {  	v4 =	vadd.s32 s11, v2;
	s15 =	sand.u32 $0xFFFFFF80, s12;
	s10 =	smov.u32 @p1 s30;
	[sflag:s31] =	ssyncset.done $0x0  }
0x1e8: {  	vm2 =	vgt.s32 v4, $0x0;
	s10 =	smov.u32 @p0 s20;
	s20 =	simm.s32 $0x11;
	[sflag:s31] =	ssyncadd.s32 $0xFFFFF380  }
0x1e9: {  	s23 =	simm.s32 $0xA;
	v5 =	vadd.s32 s19, v2;
	vm1 =	vlt.s32 v4, s15;
	v4 =	vnsel vm2, $0x0, v4;
	_ =	swait.ge [sflag:s20], $0xC80  }
0x1ea: {  	s21 =	sadd.s32 $0x20, s11;
	s25 =	sadd.s32 $0x30, s11;
	vm2 =	vgt.s32 v5, $0x0;
	v4 =	vmin.u32 v4, $0x3FFF;
	[sflag:s20] =	ssyncset.done $0x0  }
0x1eb: {  	v51 =	vadd.s32 s21, v2;
	s28 =	sadd.s32 $0x40, s11;
	s9 =	smov.u32 @p2 s8;
	vm3 =	vlt.s32 v5, s15;
	v5 =	vnsel vm2, $0x0, v5;
	[sflag:s20] =	ssyncadd.s32 $0xFFFFF380  }
0x1ec: {  	v53 =	vadd.s32 s25, v2;
	p2 =	sgt.s32 s2, $0x0;
	s9 =	smov.u32 @p1 s29;
	vm2 =	vgt.s32 v51, $0x0;
	v5 =	vmin.u32 v5, $0x3FFF;
	_ =	swait.ge [sflag:s23], $0xC80  }
0x1ed: {  	v55 =	vadd.s32 s28, v2;
	vm13 =	vlt.s32 v51, s15;
	s9 =	smov.u32 @p0 s3;
	s10 =	smov.u32 @p2 s14;
	v6 =	vnsel vm2, $0x0, v51;
	[sflag:s23] =	ssyncset.done $0x0  }
0x1ee: {  	s0 =	simm.s32 $0xBA18;
	s9 =	smov.u32 @p2 s13;
	vm2 =	vgt.s32 v53, $0x0;
	v52 =	vmov s10;
	v6 =	vmin.u32 v6, $0x3FFF;
	[sflag:s23] =	ssyncadd.s32 $0xFFFFF380  }
0x1ef: {  	vm5 =	vlt.s32 v53, s15;
	s3 =	simm.s32 $0xFA18;
	v54 =	vmov s9;
	v8 =	vnsel vm2, $0x0, v53;
	[tilespmem:v4+s0+$0x0] =	vst.idx.msk vm1, v52  }
0x1f0: {  	s29 =	sadd.s32 $0x50, s11;
	[tilespmem:v4+s3+$0x0] =	vst.idx.msk vm1, v54;
	v4 =	vmin.u32 v8, $0x3FFF;
	vm1 =	vgt.s32 v55, $0x0  }
0x1f1: {  	v57 =	vadd.s32 s29, v2;
	vm2 =	vlt.s32 v55, s15;
	[tilespmem:v5+s0+$0x0] =	vst.idx.msk vm3, v52;
	v56 =	vnsel vm1, $0x0, v55  }
0x1f2: {  	s30 =	sadd.s32 $0x60, s11;
	vm1 =	vgt.s32 v57, $0x0;
	[tilespmem:v5+s3+$0x0] =	vst.idx.msk vm3, v54;
	v5 =	vmin.u32 v56, $0x3FFF  }
0x1f3: {  	v58 =	vadd.s32 s30, v2;
	v59 =	vnsel vm1, $0x0, v57;
	vm1 =	vlt.s32 v57, s15;
	[tilespmem:v6+s0+$0x0] =	vst.idx.msk vm13, v52  }
0x1f4: {  	s31 =	sadd.s32 $0x70, s11;
	vm3 =	vgt.s32 v58, $0x0;
	v60 =	vmin.u32 v59, $0x3FFF;
	[tilespmem:v6+s3+$0x0] =	vst.idx.msk vm13, v54  }
0x1f5: {  	v61 =	vadd.s32 s31, v2;
	v62 =	vnsel vm3, $0x0, v58;
	vm3 =	vlt.s32 v58, s15;
	[tilespmem:v4+s0+$0x0] =	vst.idx.msk vm5, v52  }
0x1f6: {  	vm14 =	vgt.s32 v61, $0x0;
	[tilespmem:v4+s3+$0x0] =	vst.idx.msk vm5, v54;
	v4 =	vmin.u32 v62, $0x3FFF  }
0x1f7: {  	vm15 =	vlt.s32 v61, s15;
	v63 =	vnsel vm14, $0x0, v61;
	[tilespmem:v5+s0+$0x0] =	vst.idx.msk vm2, v52  }
0x1f8: {  	s2 =	sshra.s32 s12, $0x7;
	[tilespmem:v5+s3+$0x0] =	vst.idx.msk vm2, v54;
	v5 =	vmin.u32 v63, $0x3FFF  }
0x1f9: {  	p0 =	slt.s32 s2, $0x1;
	[tilespmem:v60+s0+$0x0] =	vst.idx.msk vm1, v52  }
.Ltmp4:
0x1fa: {  	[tilespmem:v60+s3+$0x0] =	vst.idx.msk vm1, v54;
	(pc) =	sbr.rel @p0 .LBB2_9-.Ltmp4, $4  }
0x1fb: {  	[tilespmem:v4+s0+$0x0] =	vst.idx.msk vm3, v52  }
0x1fc: {  	[tilespmem:v4+s3+$0x0] =	vst.idx.msk vm3, v54  }
0x1fd: {  	[tilespmem:v5+s0+$0x0] =	vst.idx.msk vm15, v52  }
0x1fe: {  	s8 =	rddreg [dreg:$0xc];
	[tilespmem:v5+s3+$0x0] =	vst.idx.msk vm15, v54  }
0x1ff: {  	[tilespmem:s24], [sflag:$0x12] =	stream.indirect.gather [hbm4b:s5+s22], $0x40, s3, s22, $0xb8;
	[tilespmem:$0x1BE18] =	vst v63  }
0x200: {  	p0 =	sne.s32 s2, $0x1;
	_ =	swait.ge [sflag:s26], $0x2000  }
.Ltmp5:
0x201: {  	[sflag:s26] =	ssyncset.done $0x0;
	(pc) =	sbr.rel @!p0 .LBB2_8-.Ltmp5, $4  }
0x202: {  	[sflag:s26] =	ssyncadd.s32 $0xFFFFE000  }
0x203: {  	[hbm4b:s6+s22] =	stream.indirect.scatter [tilespmem:s24], [sflag:$0x13], $0x40, s0, s22, $0xb8;
	[tilespmem:$0x1BE18] =	vst v63  }
0x204: {  	_ =	swait.ge [sflag:s7], $0x2000  }
0x205: {  	s2 =	sadd.s32 $0xFFFFFFFF, s2;
	[sflag:s7] =	ssyncset.done $0x0  }
.LBB2_7:
0x206: {  	[sflag:s7] =	ssyncadd.s32 $0xFFFFE000;
	s3 =	sadd.s32 $0x80, s3;
	s0 =	sadd.s32 $0x80, s0  }
0x207: {  	[tilespmem:s24], [sflag:$0x12] =	stream.indirect.gather [hbm4b:s5+s22], $0x40, s3, s22, $0xb8;
	[tilespmem:$0x1BE18] =	vst v63  }
0x208: {  	p0 =	sne.s32 s2, $0x1;
	s2 =	sadd.s32 $0xFFFFFFFF, s2;
	_ =	swait.ge [sflag:s26], $0x2000  }
.Ltmp6:
0x209: {  	[sflag:s26] =	ssyncset.done $0x0;
	(pc) =	sbr.rel @p0 .LBB2_7-.Ltmp6, $4  }
0x20a: {  	[sflag:s26] =	ssyncadd.s32 $0xFFFFE000  }
0x20b: {  	[hbm4b:s6+s22] =	stream.indirect.scatter [tilespmem:s24], [sflag:$0x13], $0x40, s0, s22, $0xb8;
	[tilespmem:$0x1BE18] =	vst v63  }
0x20c: {  	_ =	swait.ge [sflag:s7], $0x2000  }
0x20d: {  	[sflag:s7] =	ssyncset.done $0x0  }
.Ltmp7:
0x20e: {  	_ = 	snop;
	(pc) =	sbr.rel .LBB2_8-.Ltmp7, $1  }
0x20f: {  	_ =	sdelay $0x3  }
.LBB2_10:
0x210: {  	_ =	sfence.sel $0x180000  }
0x211: {  	[bflag:$0x0] =	sbarrier.arrive $0xFFFF  }
0x212: {  	_ =	strace $0x90000047  }
0x213: {  	s0 =	stileid.u32;
	[bflag:$0x2] =	sbarrier.arrive $0xFFFF  }
0x214: {  	p0 =	sne.s32 s0, $0x0;
	s0 =	rddreg [dreg:$0x3]  }
0x215: {  	s0 =	sadd.s32 @!p0 $0x100000, s0  }
0x216: {  	[sflag:s0] =	ssyncadd.tile.s32 @!p0 $0x1;
	_ =	shalt  }
.Lfunc_end2:
_tile_overlayer_lowered:
.L_overlay_start_2:
0x217: {  	(tag) =	ssettag $0x2  }
0x218: {  	s0 =	rddreg [dreg:$0x0];
	s2 =	stileid.u32  }
0x219: {  	s1 =	rddreg [dreg:$0x1];
	p0 =	sne.s32 s2, $0x0  }
0x21a: {  	s3 =	rddreg [dreg:$0x2];
	[bflag:$0x3] =	sbarrier.arrive $0xFFFF;
	s2 =	simm.s32 @!p0 $0x1C14  }
0x21b: {  	[timem:s3], [sflag:s2] =	dma.local @!p0 [hbm:s0], s1  }
0x21c: {  	s0 =	simm.s32 @!p0 $0x14  }
0x21d: {  	_ =	swait.ge @!p0 [sflag:s0], s1  }
0x21e: {  	s1 =	ssub.s32 @!p0 $0x0, s1;
	[sflag:s0] =	ssyncset.done @!p0 $0x0  }
0x21f: {  	[sflag:s0] =	ssyncadd.s32 @!p0 s1  }
0x220: {  	[bflag:$0x3] =	sbarrier.arrive $0xFFFF  }
0x221: {  	_ =	shalt  }

// kernel: sparse-core-data-format-call.cloned.1.call-start
scs
called_computation_lowered:
.L_overlay_start_0:
0x0: {  	s2 =	sld [smem:$0x3FD9]  }
0x1: {  	s3 =	sld [smem:$0x3FFE];
	_ =	sdelay $0x1  }
0x2: {  	s1 =	srdreg.scid  }
0x3: {  	s0 =	sand.u32 $0x1, s1  }
0x4: {  	s18 =	sshll.u32 s0, $0xA;
	s2 =	sadd.s32 s3, s2  }
0x5: {  	s2 =	sadd.s32 s2, s18  }
0x6: {  	[smem:$0x3FC5] =	sst s2  }
0x7: {  	_ = 	snop  }
0x8: {  	s2 =	sld [smem:$0x3FD0];
	(tm) =	ssettm $0x1  }
0x9: {  	s19 =	sld [smem:$0x3FFB];
	_ =	sdelay $0x3  }
0xa: {  	_ =	strace s19  }
0xb: {  	s3 =	sld [smem:$0x3FFC];
	_ =	sdelay $0x3  }
0xc: {  	_ =	strace s3  }
0xd: {  	s3 =	sld [smem:$0x3FFD];
	_ =	sdelay $0x3  }
0xe: {  	_ =	strace s3  }
0xf: {  	_ =	strace $0x8FFFFFFF  }
0x10: {  	s20 =	sld [smem:$0x3FDB];
	_ =	sdelay $0x1  }
0x11: {  	s4 =	simm.s32 $_scs_section_size  }
0x12: {  	s5 =	simm.s32 $_size__tile_overlayer_lowered;
	s6 =	simm.s32 $_tile_overlayer_lowered  }
0x13: {  	s23 =	simm.s32 $0x1BFF;
	s22 =	sshll.u32 s6, $0x1;
	s3 =	sadd.s32 s4, s20  }
0x14: {  	s7 =	simm.s32 $0x0;
	s21 =	sshll.u32 s5, $0x1;
	s5 =	sadd.s32 s22, s3  }
0x15: {  	[timem:s7], [sflag:s23] =	dma.local [hbm:s5], s21  }
0x16: {  	_ =	swait.ge [sflag:s23], s21  }
0x17: {  	s4 =	ssub.s32 $0x0, s21;
	[sflag:s23] =	ssyncset.done $0x0  }
0x18: {  	[sflag:s23] =	ssyncadd.s32 s4;
	_ =	sdelay $0x1  }
0x19: {  	s24 =	simm.s32 $0x1B8B  }
0x1a: {  	_ =	swait.ge [sflag:s24], $0x1  }
0x1b: {  	[sflag:s24] =	ssyncset.done $0x0  }
0x1c: {  	s26 =	simm.s32 $0x1B8E;
	s25 =	sld [smem:$0x3FFE];
	[sflag:s24] =	ssyncadd.s32 $0xFFFFFFFF  }
0x1d: {  	s27 =	simm.s32 $execute0_lowered;
	[smem:$0x3FD2] =	sst s26  }
0x1e: {  	s5 =	sshll.u32 s27, $0x1;
	_ =	strace $0x80000049;
	[dreg:$0x1] =	wrdreg $0xFFFFFFFF  }
0x1f: {  	s28 =	simm.s32 $_size_execute0_lowered;
	s3 =	sadd.s32 s3, s5;
	[dreg:$0x0] =	wrdreg $0x0  }
0x20: {  	s5 =	sshll.u32 s28, $0x1;
	[dreg:$0x2] =	wrdreg s3  }
0x21: {  	[dreg:$0x3] =	wrdreg s5  }
0x22: {  	[dreg:$0x4] =	wrdreg $0xC0  }
0x23: {  	_ =	task [dreg:s7], $0x5FFFF  }
0x24: {  	[dreg:$0x1] =	wrdreg $0xFFFFFFFF  }
0x25: {  	[dreg:$0x0] =	wrdreg $0x60  }
0x26: {  	[dreg:$0x2] =	wrdreg s25  }
0x27: {  	[dreg:$0x3] =	wrdreg s2  }
0x28: {  	[dreg:$0x4] =	wrdreg $0x9  }
0x29: {  	_ =	task.clear_ibuf [dreg:s7], $0x5FFFF;
	_ =	strace $0x90000049  }
0x2a: {  	s29 =	simm.s32 $0x9;
	_ =	strace $0x8000004B  }
0x2b: {  	_ =	swait.ge [sflag:s29], $0x1  }
0x2c: {  	[sflag:s29] =	ssyncadd.s32 $0xFFFFFFFF  }
0x2d: {  	_ =	strace $0x9000004B  }
0x2e: {  	_ =	sfence  }
0x2f: {  	s30 =	sld [smem:$0x0];
	_ =	sdelay $0x2  }
0x30: {  	s31 =	sshll.u32 s1, $0xD;
	s1 =	sshrl.u32 s1, $0x2  }
0x31: {  	s3 =	sand.u32 $0x4000, s31;
	s1 =	sadd.s32 s1, s30  }
0x32: {  	s0 =	sor.u32 s3, s0;
	s1 =	sshll.u32 s1, $0x11  }
0x33: {  	s0 =	sor.u32 s1, s0  }
0x34: {  	s0 =	sadd.s32 $0x8F2B, s0  }
0x35: {  	[sflag:s0] =	ssyncadd.remote.s32 $0x1  }
0x36: {  	_ =	sfence.sel $0xFFFF  }
0x37: {  	[dreg:$0x0] =	wrdreg $0xFFFFFFFF;
	(pc) =	sbr.abs _section_cstart, $3  }
0x38: {  	[dreg:$0x1] =	wrdreg $0xFFFFFFFF  }
0x39: {  	_ =	task.clear_ibuf [dreg:s7], $0x2FFFF;
	_ =	strace $0x9FFFFFFF  }
0x3a: {  	(tm) =	ssettm $0x7FFFFFFF  }
0x3b: {  	_ =	shalt  }
tec
execute0_lowered:
.L_overlay_start_1:
0x0: {  	(tag) =	ssettag $0x1  }
0x1: {  	s4 =	rddreg [dreg:$0x0]  }
0x2: {  	s0 =	srdreg.scid;
	s2 =	rddreg [dreg:$0x1]  }
0x3: {  	s1 =	stileid.u32;
	s5 =	simm.s32 $0x1;
	s0 =	sshll.u32 s0, $0x4  }
0x4: {  	s7 =	simm.s32 $0x2;
	s11 =	simm.s32 $0x0;
	s3 =	sand.u32 $0x10, s0  }
.Ltmp0:
0x5: {  	p0 =	por $0x0, $0x0;
	s3 =	sor.u32 s1, s3;
	(pc) =	sbr.rel .LBB1_1-.Ltmp0, $4  }
0x6: {  	s8 =	simm.s32 $0x7A1400;
	s10 =	simm.s32 $0x0;
	s3 =	sshll.u32 s3, $0x7  }
0x7: {  	s0 =	rddreg [dreg:$0x2];
	_ =	strace $0x8000004A;
	s6 =	ssub.s32 $0xF4200, s3  }
0x8: {  	s4 =	sadd.s32 $0x7C1C00, s4;
	[sflag:s5] =	ssyncpa.u1 $0x0;
	s6 =	sshrl.u32 s6, $0xC  }
0x9: {  	[sflag:s7] =	ssyncpa.u1 $0x0;
	s9 =	smov.u32 s3;
	s7 =	sadd.s32 $0x2, s6  }
.LBB1_5:
0xa: {  	s13 =	sadd.s32 $0x1000, s9  }
0xb: {  	p2 =	sgt.s32 s13, $0xF423F  }
0xc: {  	s13 =	smov.u32 @p2 s3;
	p2 =	sne.s32 s10, s7  }
.Ltmp1:
0xd: {  	p1 =	slt.u32 s10, $0x2;
	(pc) =	sbr.rel @!p2 .LBB1_6-.Ltmp1, $4  }
0xe: {  	s12 =	simm.s32 @!p1 $0x2  }
0xf: {  	s14 =	sadd.s32 $0x1, s10;
	_ =	swait.ge @!p1 [sflag:s12], $0x2000  }
0x10: {  	s11 =	smov.u32 s9;
	p0 =	por !p0, !p0;
	[sflag:s12] =	ssyncset.done @!p1 $0x0  }
0x11: {  	s10 =	smov.u32 s14;
	s9 =	smov.u32 s13;
	[sflag:s12] =	ssyncadd.s32 @!p1 $0xFFFFE000  }
.LBB1_1:
0x12: {  	p1 =	sgt.u32 s10, s6  }
0x13: {  	s13 =	smov.u32 s9;
	p2 =	sgt.s32 @!p1 s9, $0xF41C0  }
0x14: {  	s12 =	sand.u32 @!p1 $0x1FFFFFF, s9;
	s14 =	sshra.s32 @!p1 s9, $0x1F;
	p2 =	por !p2, p1  }
0x15: {  	s15 =	smulhi.u32 @!p1 $0x218DEF5, s12;
	s14 =	sand.u32 @!p1 s14, s9;
	s13 =	simm.s32 @p2 $0xF41C0  }
0x16: {  	s13 =	ssub.s32 @!p1 s13, s14  }
0x17: {  	s14 =	sshrl.u32 @!p1 s15, $0xD;
	s13 =	sadd.s32 @!p1 $0xFFF0BE40, s13  }
0x18: {  	s15 =	sxor.u32 @!p1 $0xFFFFFFFF, s10;
	s14 =	smul.u32 @!p1 $0xF4240, s14;
	s16 =	sshll.u32 @!p1 s13, $0x8  }
0x19: {  	s15 =	sshll.u32 @!p1 s15, $0xD;
	p2 =	sgt.s32 @!p1 s13, $0x7F;
	s13 =	ssub.s32 @!p1 $0x8000, s16  }
0x1a: {  	s12 =	ssub.s32 @!p1 s12, s14;
	p2 =	por !p2, p1;
	s14 =	sand.u32 @!p1 $0x2000, s15  }
0x1b: {  	s15 =	simm.s32 @!p1 $0x40;
	s13 =	sshrl.u32 @!p1 s13, $0x2;
	s12 =	sshll.u32 @!p1 s12, $0x4  }
0x1c: {  	s16 =	simm.s32 @!p1 $0x80;
	s13 =	simm.s32 @!p2 $0x0;
	s12 =	sadd.s32 @!p1 s4, s12  }
0x1d: {  	[tilespmem:s14], [sflag:$0x1] =	stream.strided.gather @!p1 [hbm4b:s12+s15], s13, s16, s15, $0x38;
	[tilespmem:$0x8080] =	vst v63  }
0x1e: {  	p1 =	seq.s32 s10, $0x0  }
0x1f: {  	p2 =	sge.u32 @!p1 s10, s7  }
0x20: {  	p1 =	por p1, p2  }
.Ltmp2:
0x21: {  	_ = 	snop;
	(pc) =	sbr.rel @p1 .LBB1_5-.Ltmp2, $1  }
0x22: {  	_ =	sdelay $0x3  }
0x23: {  	p1 =	sgt.s32 s11, $0xF41C0;
	s12 =	smov.u32 s11;
	s13 =	sshra.s32 s11, $0x1F  }
0x24: {  	s12 =	simm.s32 @!p1 $0xF41C0;
	s13 =	sand.u32 s13, s11  }
0x25: {  	s12 =	ssub.s32 s12, s13  }
0x26: {  	s12 =	sadd.s32 $0xFFF0BE40, s12  }
0x27: {  	s28 =	sshll.u32 s12, $0x8  }
0x28: {  	s13 =	ssub.s32 $0x8000, s28  }
0x29: {  	p1 =	sgt.s32 s12, $0x7F;
	s12 =	sshrl.u32 s13, $0x2  }
0x2a: {  	s13 =	simm.s32 $0x1;
	s12 =	simm.s32 @p1 $0x0  }
0x2b: {  	s13 =	simm.s32 @!p0 $0x0;
	_ =	swait.ge [sflag:s5], s12  }
0x2c: {  	s14 =	sshll.u32 s13, $0xD;
	s12 =	ssub.s32 $0x0, s12;
	[sflag:s5] =	ssyncset.done $0x0  }
0x2d: {  	s16 =	sor.u32 $0x20, s14;
	[sflag:s5] =	ssyncadd.s32 s12  }
0x2e: {  	s29 =	smul.u32 $0x8100, s13;
	v3 =	vld [tilespmem:s16+$0x10]  }
0x2f: {  	s30 =	sand.u32 $0x1, s10;
	v2 =	vld [tilespmem:s16+$0xFFFFFFF0]  }
0x30: {  	s13 =	smul.u32 $0x8100, s30;
	s12 =	sshrl.u32 s29, $0x2;
	v0 =	vld [tilespmem:s16+$0x0]  }
0x31: {  	s14 =	sor.u32 $0x4000, s12;
	v1 =	vld [tilespmem:s16+$0xFFFFFFE0]  }
0x32: {  	s31 =	sshrl.u32 s13, $0x2;
	s13 =	sadd.s32 $0x0, s14  }
0x33: {  	s15 =	simm.s32 $0x4;
	s12 =	sor.u32 $0x4000, s31;
	s16 =	sadd.s32 $0x40, s16;
	[tilespmem:s13+$0x1830 ss:$0x81] =	vst.msk $0xffff, v3  }
.LBB1_3:
0x34: {  	v3 =	vld [tilespmem:s16+$0x10];
	p1 =	sne.s32 s15, $0x1FC;
	[tilespmem:s13+$0x810 ss:$0x81] =	vst.msk $0xffff, v2;
	s17 =	smov.u32 s15;
	s15 =	sadd.s32 $0x4, s15  }
.Ltmp3:
0x35: {  	v2 =	vld [tilespmem:s16+$0xFFFFFFF0];
	[tilespmem:s13+$0x1020 ss:$0x81] =	vst.msk $0xffff, v0;
	(pc) =	sbr.rel @p1 .LBB1_3-.Ltmp3, $4  }
0x36: {  	v0 =	vld [tilespmem:s16+$0x0];
	[tilespmem:s13+$0x0 ss:$0x81] =	vst.msk $0xffff, v1  }
0x37: {  	s13 =	sshra.s32 s17, $0x2;
	v1 =	vld [tilespmem:s16+$0xFFFFFFE0]  }
0x38: {  	s13 =	sadd.s32 s13, s14  }
0x39: {  	s16 =	sadd.s32 $0x40, s16;
	[tilespmem:s13+$0x1830 ss:$0x81] =	vst.msk $0xffff, v3  }
0x3a: {  	s14 =	sshll.u32 s11, $0x3  }
0x3b: {  	s30 =	sand.u32 $0x7F, s11;
	s14 =	sand.u32 $0xFFFFFC00, s14  }
0x3c: {  	s11 =	sor.u32 s30, s14  }
0x3d: {  	s15 =	smulhi.u32 $0x218D6287, s11;
	_ =	sdelay $0x1  }
0x3e: {  	s14 =	smulhi.u32 $0x218D6287, s14;
	s15 =	sshrl.u32 s15, $0x11  }
0x3f: {  	s15 =	smul.u32 $0xF4280, s15  }
0x40: {  	s14 =	sshrl.u32 s14, $0x11  }
.Ltmp4:
0x41: {  	s14 =	sand.u32 $0x3F, s14;
	s11 =	ssub.s32 s11, s15;
	(pc) =	sbr.rel .LBB1_5-.Ltmp4, $4  }
0x42: {  	[tilespmem:s13+$0x810 ss:$0x81] =	vst.msk $0xffff, v2;
	s14 =	smul.u32 $0x1E850, s14;
	s15 =	sshrl.u32 s11, $0x3;
	s11 =	sand.u32 $0x7, s11  }
0x43: {  	[tilespmem:s13+$0x1020 ss:$0x81] =	vst.msk $0xffff, v0;
	s15 =	sadd.s32 s2, s15;
	s11 =	sshll.u32 s11, $0x12  }
0x44: {  	[tilespmem:s13+$0x0 ss:$0x81] =	vst.msk $0xffff, v1;
	s31 =	sadd.s32 s14, s15;
	s11 =	sor.u32 $0x400, s11  }
0x45: {  	[hbm4b:s31+s11] =	stream.strided.scatter [tilespmem:s12], [sflag:$0x2], $0x2000, s8, s11, $0x20;
	[tilespmem:$0x8080] =	vst v63  }
.LBB1_6:
0x46: {  	_ =	sfence.sel $0x180000  }
0x47: {  	s2 =	simm.s32 $0x1;
	[bflag:$0x0] =	sbarrier.arrive $0xFFFF  }
0x48: {  	s31 =	simm.s32 $0x2;
	[sflag:s2] =	ssyncpa.u1 $0x1  }
0x49: {  	[sflag:s31] =	ssyncpa.u1 $0x1  }
0x4a: {  	p0 =	sne.s32 s1, $0x0;
	_ =	strace $0x9000004A  }
0x4b: {  	s0 =	sadd.s32 @!p0 $0x100000, s0;
	[bflag:$0x2] =	sbarrier.arrive $0xFFFF  }
0x4c: {  	[sflag:s0] =	ssyncadd.tile.s32 @!p0 $0x1;
	_ =	shalt  }
.Lfunc_end1:
_tile_overlayer_lowered:
.L_overlay_start_2:
0x4d: {  	(tag) =	ssettag $0x2  }
0x4e: {  	s0 =	rddreg [dreg:$0x0];
	s2 =	stileid.u32  }
0x4f: {  	s1 =	rddreg [dreg:$0x1];
	p0 =	sne.s32 s2, $0x0  }
0x50: {  	s3 =	rddreg [dreg:$0x2];
	[bflag:$0x3] =	sbarrier.arrive $0xFFFF;
	s2 =	simm.s32 @!p0 $0x1C01  }
0x51: {  	[timem:s3], [sflag:s2] =	dma.local @!p0 [hbm:s0], s1  }
0x52: {  	s0 =	simm.s32 @!p0 $0x1  }
0x53: {  	_ =	swait.ge @!p0 [sflag:s0], s1  }
0x54: {  	s1 =	ssub.s32 @!p0 $0x0, s1;
	[sflag:s0] =	ssyncset.done @!p0 $0x0  }
0x55: {  	[sflag:s0] =	ssyncadd.s32 @!p0 s1  }
0x56: {  	[bflag:$0x3] =	sbarrier.arrive $0xFFFF  }
0x57: {  	_ =	shalt  }

</sc_bundles>
